<compile_context>
chip_gen: v7x
topology: tpu7x:2x2x1
jax: 0.10.2.dev20260603
libtpu: 0.0.44.dev20260713+nightly
codegen_flags: <defaults>
</compile_context>

<pallas_src>
import functools

import jax
import jax.numpy as jnp
from jax import lax
from jax.experimental import pallas as pl
from jax.experimental.pallas import tpu as pltpu
from jax.experimental.pallas import tpu_sc as plsc

N = 10000
E = 320000
F_IN = 128
HID = 128
NC = 40

NP = 10240
CH = 128
NTILES = 32
NCHUNK = 80
EPT = NCHUNK * CH
EPAD = NTILES * EPT
RPT = NP // 16


def _copy_idx(src_ref, base, dst_ref):
    for j in range(CH // 16):
        dst_ref[pl.ds(j * 16, 16)] = src_ref[pl.ds(base + j * 16, 16)]


@functools.cache
def _get_sc_deg():
    mesh = plsc.VectorSubcoreMesh(core_axis_name="c", subcore_axis_name="s")

    @functools.partial(
        pl.kernel,
        out_type=jax.ShapeDtypeStruct((2, NP, 128), jnp.float32),
        mesh=mesh,
        scratch_types=[
            pltpu.VMEM((CH,), jnp.int32),
            pltpu.VMEM((CH,), jnp.int32),
            pltpu.VMEM((CH, 128), jnp.float32),
            pltpu.VMEM_SHARED((NP, 128), jnp.float32),
            pltpu.SemaphoreType.DMA,
            pltpu.SemaphoreType.DMA,
            pltpu.SemaphoreType.DMA,
            pltpu.SemaphoreType.DMA,
        ],
    )
    def deg(dst_hbm, ones_hbm, zeros_hbm, out_hbm,
            idxd_a, idxd_b, ones_v, acc_sh, sem_ia, sem_ib, sem_sa, sem_sb):
        c = lax.axis_index("c")
        s = lax.axis_index("s")
        wid = c * 16 + s
        t0 = wid * EPT
        pltpu.sync_copy(ones_hbm, ones_v)
        pltpu.sync_copy(zeros_hbm.at[pl.ds(s * RPT, RPT)],
                        acc_sh.at[pl.ds(s * RPT, RPT)])
        pltpu.async_copy(dst_hbm.at[pl.ds(t0, CH)], idxd_a, sem_ia)
        plsc.subcore_barrier()

        def body(p, carry):
            i1 = t0 + (2 * p + 1) * CH
            i2 = t0 + (2 * p + 2) * CH

            @pl.when(p > 0)
            def _():
                pltpu.make_async_copy(ones_v, acc_sh.at[idxd_b], sem_sb).wait()

            pltpu.async_copy(dst_hbm.at[pl.ds(i1, CH)], idxd_b, sem_ib)
            pltpu.make_async_copy(dst_hbm.at[pl.ds(t0, CH)], idxd_a, sem_ia).wait()
            pltpu.async_copy(ones_v, acc_sh.at[idxd_a], sem_sa, add=True)

            @pl.when(2 * p + 2 < NCHUNK)
            def _():
                pltpu.make_async_copy(ones_v, acc_sh.at[idxd_a], sem_sa).wait()
                pltpu.async_copy(dst_hbm.at[pl.ds(i2, CH)], idxd_a, sem_ia)

            pltpu.make_async_copy(dst_hbm.at[pl.ds(t0, CH)], idxd_b, sem_ib).wait()
            pltpu.async_copy(ones_v, acc_sh.at[idxd_b], sem_sb, add=True)
            return carry

        lax.fori_loop(0, NCHUNK // 2, body, 0)
        pltpu.make_async_copy(ones_v, acc_sh.at[idxd_a], sem_sa).wait()
        pltpu.make_async_copy(ones_v, acc_sh.at[idxd_b], sem_sb).wait()
        plsc.subcore_barrier()
        pltpu.sync_copy(acc_sh.at[pl.ds(s * RPT, RPT)],
                        out_hbm.at[c, pl.ds(s * RPT, RPT)])

    return deg


@functools.cache
def _get_sc_agg(D):
    mesh = plsc.VectorSubcoreMesh(core_axis_name="c", subcore_axis_name="s")

    @functools.partial(
        pl.kernel,
        out_type=jax.ShapeDtypeStruct((2, NP, D), jnp.float32),
        mesh=mesh,
        scratch_types=[
            pltpu.VMEM((EPT,), jnp.int32),
            pltpu.VMEM((CH,), jnp.int32),
            pltpu.VMEM((CH,), jnp.int32),
            pltpu.VMEM((CH, D), jnp.float32),
            pltpu.VMEM((CH, D), jnp.float32),
            pltpu.VMEM_SHARED((NP, D), jnp.float32),
            pltpu.SemaphoreType.DMA,
            pltpu.SemaphoreType.DMA,
            pltpu.SemaphoreType.DMA,
            pltpu.SemaphoreType.DMA,
            pltpu.SemaphoreType.DMA,
            pltpu.SemaphoreType.DMA,
        ],
    )
    def agg(g_hbm, src_hbm, dst_hbm, zeros_hbm, out_hbm,
            srcv, idxd_a, idxd_b, rows_a, rows_b, acc_sh,
            sem_ia, sem_ib, sem_ga, sem_gb, sem_sa, sem_sb):
        c = lax.axis_index("c")
        s = lax.axis_index("s")
        wid = c * 16 + s
        t0 = wid * EPT

        pltpu.sync_copy(src_hbm.at[pl.ds(t0, EPT)], srcv)
        pltpu.sync_copy(zeros_hbm.at[pl.ds(s * RPT, RPT)],
                        acc_sh.at[pl.ds(s * RPT, RPT)])
        pltpu.async_copy(dst_hbm.at[pl.ds(t0, CH)], idxd_a, sem_ia)
        pltpu.async_copy(g_hbm.at[srcv.at[pl.ds(0, CH)]], rows_a, sem_ga)
        plsc.subcore_barrier()

        def body(p, carry):
            i1 = (2 * p + 1) * CH
            i2 = (2 * p + 2) * CH

            @pl.when(p > 0)
            def _():
                pltpu.make_async_copy(rows_b, acc_sh.at[idxd_b], sem_sb).wait()

            pltpu.async_copy(dst_hbm.at[pl.ds(t0 + i1, CH)], idxd_b, sem_ib)
            pltpu.async_copy(g_hbm.at[srcv.at[pl.ds(i1, CH)]], rows_b, sem_gb)
            pltpu.make_async_copy(g_hbm.at[srcv.at[pl.ds(0, CH)]],
                                  rows_a, sem_ga).wait()
            pltpu.make_async_copy(dst_hbm.at[pl.ds(t0, CH)], idxd_a, sem_ia).wait()
            pltpu.async_copy(rows_a, acc_sh.at[idxd_a], sem_sa, add=True)

            @pl.when(2 * p + 2 < NCHUNK)
            def _():
                pltpu.make_async_copy(rows_a, acc_sh.at[idxd_a], sem_sa).wait()
                pltpu.async_copy(dst_hbm.at[pl.ds(t0 + i2, CH)], idxd_a, sem_ia)
                pltpu.async_copy(g_hbm.at[srcv.at[pl.ds(i2, CH)]], rows_a, sem_ga)

            pltpu.make_async_copy(g_hbm.at[srcv.at[pl.ds(0, CH)]],
                                  rows_b, sem_gb).wait()
            pltpu.make_async_copy(dst_hbm.at[pl.ds(t0, CH)], idxd_b, sem_ib).wait()
            pltpu.async_copy(rows_b, acc_sh.at[idxd_b], sem_sb, add=True)
            return carry

        lax.fori_loop(0, NCHUNK // 2, body, 0)
        pltpu.make_async_copy(rows_a, acc_sh.at[idxd_a], sem_sa).wait()
        pltpu.make_async_copy(rows_b, acc_sh.at[idxd_b], sem_sb).wait()
        plsc.subcore_barrier()
        pltpu.sync_copy(acc_sh.at[pl.ds(s * RPT, RPT)],
                        out_hbm.at[c, pl.ds(s * RPT, RPT)])

    return agg


BR = 1024


def _dinv_from(degm):
    deg = degm[0, :, 0:1] + degm[1, :, 0:1] + 1.0
    return lax.rsqrt(deg)


def _tc_pre1_body(x_ref, w_ref, degm_ref, o_ref, d8_ref):
    dinv = _dinv_from(degm_ref[...])
    h = jnp.dot(x_ref[...], w_ref[...], preferred_element_type=jnp.float32)
    o_ref[...] = h * dinv
    d8_ref[...] = jnp.broadcast_to(dinv, (dinv.shape[0], 8))


def _tc_mid_body(part_ref, g_ref, d8_ref, b1_ref, w2_ref, o_ref):
    dinv = d8_ref[:, 0:1]
    agg = part_ref[0] + part_ref[1] + g_ref[...]
    h1 = jnp.maximum(agg * dinv + b1_ref[...], 0.0)
    o_ref[...] = jnp.dot(h1, w2_ref[...], preferred_element_type=jnp.float32) * dinv


def _tc_fin_body(part_ref, g_ref, d8_ref, b2_ref, o_ref):
    dinv = d8_ref[:, 0:1]
    o = (part_ref[0] + part_ref[1] + g_ref[...]) * dinv + b2_ref[...]
    mask = lax.broadcasted_iota(jnp.int32, o.shape, 1) < NC
    om = jnp.where(mask, o, -1e30)
    m = jnp.max(om, axis=1, keepdims=True)
    ex = jnp.where(mask, jnp.exp(o - m), 0.0)
    lse = jnp.log(jnp.sum(ex, axis=1, keepdims=True))
    o_ref[...] = o - m - lse


_GRID = NP // BR


def _tc_pre1(x_pad, W1, degm):
    return pl.pallas_call(
        _tc_pre1_body,
        grid=(_GRID,),
        in_specs=[
            pl.BlockSpec((BR, F_IN), lambda i: (i, 0)),
            pl.BlockSpec((F_IN, HID), lambda i: (0, 0)),
            pl.BlockSpec((2, BR, 128), lambda i: (0, i, 0)),
        ],
        out_specs=[
            pl.BlockSpec((BR, HID), lambda i: (i, 0)),
            pl.BlockSpec((BR, 8), lambda i: (i, 0)),
        ],
        out_shape=[
            jax.ShapeDtypeStruct((NP, HID), jnp.float32),
            jax.ShapeDtypeStruct((NP, 8), jnp.float32),
        ],
    )(x_pad, W1, degm)


def _tc_mid(part1, g1, degm, b1, W2p):
    return pl.pallas_call(
        _tc_mid_body,
        grid=(_GRID,),
        in_specs=[
            pl.BlockSpec((2, BR, HID), lambda i: (0, i, 0)),
            pl.BlockSpec((BR, HID), lambda i: (i, 0)),
            pl.BlockSpec((BR, 8), lambda i: (i, 0)),
            pl.BlockSpec((1, HID), lambda i: (0, 0)),
            pl.BlockSpec((HID, HID), lambda i: (0, 0)),
        ],
        out_specs=pl.BlockSpec((BR, HID), lambda i: (i, 0)),
        out_shape=jax.ShapeDtypeStruct((NP, HID), jnp.float32),
    )(part1, g1, degm, b1, W2p)


def _tc_fin(part2, g2, degm, b2p):
    return pl.pallas_call(
        _tc_fin_body,
        grid=(_GRID,),
        in_specs=[
            pl.BlockSpec((2, BR, HID), lambda i: (0, i, 0)),
            pl.BlockSpec((BR, HID), lambda i: (i, 0)),
            pl.BlockSpec((BR, 8), lambda i: (i, 0)),
            pl.BlockSpec((1, HID), lambda i: (0, 0)),
        ],
        out_specs=pl.BlockSpec((BR, HID), lambda i: (i, 0)),
        out_shape=jax.ShapeDtypeStruct((NP, HID), jnp.float32),
    )(part2, g2, degm, b2p)


def kernel(x, edge_index, W1, b1, W2, b2):
    x_pad = jnp.zeros((NP, F_IN), jnp.float32).at[:N].set(x)
    npad = EPAD - E
    padi = (N + (jnp.arange(npad, dtype=jnp.int32) % (NP - N))).astype(jnp.int32)
    src = jnp.concatenate([edge_index[0], padi])
    dst = jnp.concatenate([edge_index[1], padi])

    W2p = jnp.zeros((HID, HID), jnp.float32).at[:, :NC].set(W2)
    b1r = b1.reshape(1, HID)
    b2p = jnp.zeros((1, HID), jnp.float32).at[0, :NC].set(b2)

    ones128 = jnp.ones((CH, 128), jnp.float32)
    z128 = jnp.zeros((NP, HID), jnp.float32)

    degm = _get_sc_deg()(dst, ones128, z128)
    g1, d8 = _tc_pre1(x_pad, W1, degm)
    part1 = _get_sc_agg(HID)(g1, src, dst, z128)
    g2 = _tc_mid(part1, g1, d8, b1r, W2p)
    part2 = _get_sc_agg(HID)(g2, src, dst, z128)
    out = _tc_fin(part2, g2, d8, b2p)
    return out[:N, :NC]

# --- scband reference (transcript-rebuilt; emitter-appended) ---
"""Pipeline reference for scband-gcn-53893249630223 (READ-ONLY COPY).

The authoritative reference and input builder live on the scoring server;
editing this copy changes nothing except your own understanding.
"""

import jax, jax.numpy as jnp
import numpy as np

N = 10000
E = 320000
F_IN = 128
HID = 128
NC = 40


def setup_inputs(seed: int = 0) -> dict:
    key = jax.random.key(seed)
    k1, k2, k3, k4, k5, k6 = jax.random.split(key, 6)
    x = jax.random.normal(k1, (N, F_IN), dtype=jnp.float32)
    edge_index = jax.random.randint(k2, (2, E), 0, N, dtype=jnp.int32)
    W1 = jax.random.normal(k3, (F_IN, HID), dtype=jnp.float32) * (1.0 / np.sqrt(F_IN))
    b1 = jnp.zeros((HID,), dtype=jnp.float32)
    W2 = jax.random.normal(k4, (HID, NC), dtype=jnp.float32) * (1.0 / np.sqrt(HID))
    b2 = jnp.zeros((NC,), dtype=jnp.float32)
    return {"x": x, "edge_index": edge_index, "W1": W1, "b1": b1, "W2": W2, "b2": b2}


def _gcn_conv(x, edge_index, W, b):
    n = x.shape[0]
    loop = jnp.arange(n, dtype=edge_index.dtype)
    src = jnp.concatenate([edge_index[0], loop])
    dst = jnp.concatenate([edge_index[1], loop])
    ones = jnp.ones(src.shape[0], dtype=x.dtype)
    deg = jax.ops.segment_sum(ones, dst, num_segments=n)
    deg_inv_sqrt = jnp.where(deg > 0, jax.lax.rsqrt(jnp.maximum(deg, 1e-12)), 0.0)
    norm = deg_inv_sqrt[src] * deg_inv_sqrt[dst]
    h = x @ W
    msg = h[src] * norm[:, None]
    out = jax.ops.segment_sum(msg, dst, num_segments=n)
    return out + b


def reference(x, edge_index, W1, b1, W2, b2):
    h = _gcn_conv(x, edge_index, W1, b1)
    h = jax.nn.relu(h)
    # F.dropout with training=False is identity (inference mode)
    h = _gcn_conv(h, edge_index, W2, b2)
    return jax.nn.log_softmax(h, axis=1)

if __name__ == "__main__":
    import jax
    _d = setup_inputs()
    print(jax.jit(kernel)(*tuple(_d.values())))

</pallas_src>

<mosaic_0001>
#map = affine_map<(d0, d1) -> (0, 0)>
#map1 = affine_map<(d0, d1) -> (0)>
#map2 = affine_map<(d0, d1) -> (0, 0, 0)>
module attributes {stable_mosaic.version = 14 : i64} {
  func.func @agg(%arg0: i32, %arg1: i32, %arg2: memref<10240x128xf32, #tpu.memory_space<hbm>>, %arg3: memref<327680xi32, #tpu.memory_space<hbm>>, %arg4: memref<327680xi32, #tpu.memory_space<hbm>>, %arg5: memref<10240x128xf32, #tpu.memory_space<hbm>>, %arg6: memref<2x10240x128xf32, #tpu.memory_space<hbm>>, %arg7: memref<10240xi32, #tpu.memory_space<vmem>>, %arg8: memref<128xi32, #tpu.memory_space<vmem>>, %arg9: memref<128xi32, #tpu.memory_space<vmem>>, %arg10: memref<128x128xf32, #tpu.memory_space<vmem>>, %arg11: memref<128x128xf32, #tpu.memory_space<vmem>>, %arg12: memref<10240x128xf32, #tpu.memory_space<vmem_shared>>, %arg13: memref<!tpu.dma_semaphore, #tpu.memory_space<semaphore_mem>>, %arg14: memref<!tpu.dma_semaphore, #tpu.memory_space<semaphore_mem>>, %arg15: memref<!tpu.dma_semaphore, #tpu.memory_space<semaphore_mem>>, %arg16: memref<!tpu.dma_semaphore, #tpu.memory_space<semaphore_mem>>, %arg17: memref<!tpu.dma_semaphore, #tpu.memory_space<semaphore_mem>>, %arg18: memref<!tpu.dma_semaphore, #tpu.memory_space<semaphore_mem>>) attributes {dimension_semantics = [#tpu.dimension_semantics<core_parallel>, #tpu.dimension_semantics<subcore_parallel>], iteration_bounds = array<i64: 2, 16>, scalar_prefetch = 0 : i64, scratch_operands = 12 : i64, tpu.core_type = #tpu.core_type<sc_vector_subcore>, window_params = [{transform_indices = #map}, {transform_indices = #map1}, {transform_indices = #map1}, {transform_indices = #map}, {transform_indices = #map2}]} {
    %mul3A = arith.constant 16 : i32
    %mul3A_0 = arith.muli %arg0, %mul3A : i32
    %add3A = arith.addi %mul3A_0, %arg1 : i32
    %mul3A_1 = arith.constant 10240 : i32
    %mul3A_2 = arith.muli %add3A, %mul3A_1 : i32
    "tpu.region"() ({
      %run_scoped3A = tpu.sem_alloc : memref<!tpu.dma_semaphore, #tpu.memory_space<semaphore_mem>>
      %dma_start3A_28 = tpu.memref_slice %arg3[%mul3A_2] : memref<327680xi32, #tpu.memory_space<hbm>> -> memref<10240xi32, #tpu.memory_space<hbm>>
      %dma_start3A_29 = tpu.memref_slice %arg3[%mul3A_2] : memref<327680xi32, #tpu.memory_space<hbm>> -> memref<10240xi32, #tpu.memory_space<hbm>>
      tpu.enqueue_dma source(%dma_start3A_29 : memref<10240xi32, #tpu.memory_space<hbm>>) target(%arg7 : memref<10240xi32, #tpu.memory_space<vmem>>) target_semaphore(%run_scoped3A : memref<!tpu.dma_semaphore, #tpu.memory_space<semaphore_mem>>)
      %dma_wait3A_30 = tpu.memref_slice %arg3[%mul3A_2] : memref<327680xi32, #tpu.memory_space<hbm>> -> memref<10240xi32, #tpu.memory_space<hbm>>
      %dma_wait3A_31 = tpu.memref_slice %arg3[%mul3A_2] : memref<327680xi32, #tpu.memory_space<hbm>> -> memref<10240xi32, #tpu.memory_space<hbm>>
      tpu.wait_dma2 semaphore(%run_scoped3A : memref<!tpu.dma_semaphore, #tpu.memory_space<semaphore_mem>>) src(%dma_wait3A_31 : memref<10240xi32, #tpu.memory_space<hbm>>) dst(%arg7 : memref<10240xi32, #tpu.memory_space<vmem>>)
      tpu.yield
    }) : () -> ()
    %mul3A_3 = arith.constant 640 : i32
    %mul3A_4 = arith.muli %arg1, %mul3A_3 : i32
    %mul3A_5 = arith.constant 640 : i32
    %mul3A_6 = arith.muli %arg1, %mul3A_5 : i32
    "tpu.region"() ({
      %run_scoped3A = tpu.sem_alloc : memref<!tpu.dma_semaphore, #tpu.memory_space<semaphore_mem>>
      %dma_start3A_28 = arith.constant 0 : i32
      %dma_start3A_29 = tpu.memref_slice %arg12[%mul3A_6, %dma_start3A_28] : memref<10240x128xf32, #tpu.memory_space<vmem_shared>> -> memref<640x128xf32, #tpu.memory_space<vmem_shared>>
      %dma_start3A_30 = arith.constant 0 : i32
      %dma_start3A_31 = tpu.memref_slice %arg5[%mul3A_4, %dma_start3A_30] : memref<10240x128xf32, #tpu.memory_space<hbm>> -> memref<640x128xf32, #tpu.memory_space<hbm>>
      tpu.enqueue_dma source(%dma_start3A_31 : memref<640x128xf32, #tpu.memory_space<hbm>>) target(%dma_start3A_29 : memref<640x128xf32, #tpu.memory_space<vmem_shared>>) target_semaphore(%run_scoped3A : memref<!tpu.dma_semaphore, #tpu.memory_space<semaphore_mem>>)
      %dma_wait3A_32 = arith.constant 0 : i32
      %dma_wait3A_33 = tpu.memref_slice %arg12[%mul3A_6, %dma_wait3A_32] : memref<10240x128xf32, #tpu.memory_space<vmem_shared>> -> memref<640x128xf32, #tpu.memory_space<vmem_shared>>
      %dma_wait3A_34 = arith.constant 0 : i32
      %dma_wait3A_35 = tpu.memref_slice %arg5[%mul3A_4, %dma_wait3A_34] : memref<10240x128xf32, #tpu.memory_space<hbm>> -> memref<640x128xf32, #tpu.memory_space<hbm>>
      tpu.wait_dma2 semaphore(%run_scoped3A : memref<!tpu.dma_semaphore, #tpu.memory_space<semaphore_mem>>) src(%dma_wait3A_35 : memref<640x128xf32, #tpu.memory_space<hbm>>) dst(%dma_wait3A_33 : memref<640x128xf32, #tpu.memory_space<vmem_shared>>)
      tpu.yield
    }) : () -> ()
    %dma_start3A = tpu.memref_slice %arg4[%mul3A_2] : memref<327680xi32, #tpu.memory_space<hbm>> -> memref<128xi32, #tpu.memory_space<hbm>>
    %dma_start3A_7 = tpu.memref_slice %arg4[%mul3A_2] : memref<327680xi32, #tpu.memory_space<hbm>> -> memref<128xi32, #tpu.memory_space<hbm>>
    tpu.enqueue_dma source(%dma_start3A_7 : memref<128xi32, #tpu.memory_space<hbm>>) target(%arg8 : memref<128xi32, #tpu.memory_space<vmem>>) target_semaphore(%arg13 : memref<!tpu.dma_semaphore, #tpu.memory_space<semaphore_mem>>)
    %dma_start3A_8 = arith.constant 0 : i32
    %dma_start3A_9 = tpu.memref_slice %arg7[%dma_start3A_8] : memref<10240xi32, #tpu.memory_space<vmem>> -> memref<128xi32, #tpu.memory_space<vmem>>
    %dma_start3A_10 = arith.constant 0 : i32
    %dma_start3A_11 = arith.constant 0 : i32
    %dma_start3A_12 = tpu.memref_slice %arg2[%dma_start3A_10, %dma_start3A_11] : memref<10240x128xf32, #tpu.memory_space<hbm>> -> memref<10240x128xf32, #tpu.memory_space<hbm>>
    tpu.enqueue_indirect_dma source(%dma_start3A_12 : memref<10240x128xf32, #tpu.memory_space<hbm>>) target(%arg10 : memref<128x128xf32, #tpu.memory_space<vmem>>) offsets(%dma_start3A_9 : memref<128xi32, #tpu.memory_space<vmem>>) semaphore(%arg15 : memref<!tpu.dma_semaphore, #tpu.memory_space<semaphore_mem>>)
    %barrier3A = arith.constant 0 : index
    tpu.barrier barrier_id(%barrier3A)
    %scan3A = arith.constant 0 : i32
    %scan3A_13 = arith.constant 0 : i32
    %scan3A_14 = arith.constant 40 : i32
    %scan3A_15 = arith.addi %scan3A_13, %scan3A_14 : i32
    %scan3A_16 = arith.constant 1 : i32
    scf.for %scan3A_28 = %scan3A_13 to %scan3A_15 step %scan3A_16  : i32 {
      %mul3A_29 = arith.constant 2 : i32
      %mul3A_30 = arith.muli %mul3A_29, %scan3A_28 : i32
      %add3A_31 = arith.constant 1 : i32
      %add3A_32 = arith.addi %mul3A_30, %add3A_31 : i32
      %mul3A_33 = arith.constant 128 : i32
      %mul3A_34 = arith.muli %add3A_32, %mul3A_33 : i32
      %mul3A_35 = arith.constant 2 : i32
      %mul3A_36 = arith.muli %mul3A_35, %scan3A_28 : i32
      %add3A_37 = arith.constant 2 : i32
      %add3A_38 = arith.addi %mul3A_36, %add3A_37 : i32
      %mul3A_39 = arith.constant 128 : i32
      %mul3A_40 = arith.muli %add3A_38, %mul3A_39 : i32
      %gt3A = arith.constant 0 : i32
      %gt3A_41 = arith.cmpi sgt, %scan3A_28, %gt3A : i32
      %convert_element_type3A = arith.extui %gt3A_41 : i1 to i32
      %cond3A = arith.constant 0 : i32
      %cond3A_42 = arith.cmpi ne, %convert_element_type3A, %cond3A : i32
      scf.if %cond3A_42 {
        %dma_wait3A_78 = arith.constant 0 : i32
        %dma_wait3A_79 = arith.constant 0 : i32
        %dma_wait3A_80 = tpu.memref_slice %arg12[%dma_wait3A_78, %dma_wait3A_79] : memref<10240x128xf32, #tpu.memory_space<vmem_shared>> -> memref<10240x128xf32, #tpu.memory_space<vmem_shared>>
        tpu.wait_indirect_dma semaphore(%arg18 : memref<!tpu.dma_semaphore, #tpu.memory_space<semaphore_mem>>) src(%arg11 : memref<128x128xf32, #tpu.memory_space<vmem>>) dst(%dma_wait3A_80 : memref<10240x128xf32, #tpu.memory_space<vmem_shared>>)
      } else {
      }
      %add3A_43 = arith.addi %mul3A_2, %mul3A_34 : i32
      %dma_start3A_44 = tpu.memref_slice %arg4[%add3A_43] : memref<327680xi32, #tpu.memory_space<hbm>> -> memref<128xi32, #tpu.memory_space<hbm>>
      %dma_start3A_45 = tpu.memref_slice %arg4[%add3A_43] : memref<327680xi32, #tpu.memory_space<hbm>> -> memref<128xi32, #tpu.memory_space<hbm>>
      tpu.enqueue_dma source(%dma_start3A_45 : memref<128xi32, #tpu.memory_space<hbm>>) target(%arg9 : memref<128xi32, #tpu.memory_space<vmem>>) target_semaphore(%arg14 : memref<!tpu.dma_semaphore, #tpu.memory_space<semaphore_mem>>)
      %dma_start3A_46 = tpu.memref_slice %arg7[%mul3A_34] : memref<10240xi32, #tpu.memory_space<vmem>> -> memref<128xi32, #tpu.memory_space<vmem>>
      %dma_start3A_47 = arith.constant 0 : i32
      %dma_start3A_48 = arith.constant 0 : i32
      %dma_start3A_49 = tpu.memref_slice %arg2[%dma_start3A_47, %dma_start3A_48] : memref<10240x128xf32, #tpu.memory_space<hbm>> -> memref<10240x128xf32, #tpu.memory_space<hbm>>
      tpu.enqueue_indirect_dma source(%dma_start3A_49 : memref<10240x128xf32, #tpu.memory_space<hbm>>) target(%arg11 : memref<128x128xf32, #tpu.memory_space<vmem>>) offsets(%dma_start3A_46 : memref<128xi32, #tpu.memory_space<vmem>>) semaphore(%arg16 : memref<!tpu.dma_semaphore, #tpu.memory_space<semaphore_mem>>)
      %dma_wait3A_50 = arith.constant 0 : i32
      %dma_wait3A_51 = tpu.memref_slice %arg7[%dma_wait3A_50] : memref<10240xi32, #tpu.memory_space<vmem>> -> memref<128xi32, #tpu.memory_space<vmem>>
      %dma_wait3A_52 = arith.constant 0 : i32
      %dma_wait3A_53 = arith.constant 0 : i32
      %dma_wait3A_54 = tpu.memref_slice %arg2[%dma_wait3A_52, %dma_wait3A_53] : memref<10240x128xf32, #tpu.memory_space<hbm>> -> memref<10240x128xf32, #tpu.memory_space<hbm>>
      tpu.wait_indirect_dma semaphore(%arg15 : memref<!tpu.dma_semaphore, #tpu.memory_space<semaphore_mem>>) src(%dma_wait3A_54 : memref<10240x128xf32, #tpu.memory_space<hbm>>) dst(%arg10 : memref<128x128xf32, #tpu.memory_space<vmem>>)
      %dma_wait3A_55 = tpu.memref_slice %arg4[%mul3A_2] : memref<327680xi32, #tpu.memory_space<hbm>> -> memref<128xi32, #tpu.memory_space<hbm>>
      %dma_wait3A_56 = tpu.memref_slice %arg4[%mul3A_2] : memref<327680xi32, #tpu.memory_space<hbm>> -> memref<128xi32, #tpu.memory_space<hbm>>
      tpu.wait_dma2 semaphore(%arg13 : memref<!tpu.dma_semaphore, #tpu.memory_space<semaphore_mem>>) src(%dma_wait3A_56 : memref<128xi32, #tpu.memory_space<hbm>>) dst(%arg8 : memref<128xi32, #tpu.memory_space<vmem>>)
      %dma_start3A_57 = arith.constant 0 : i32
      %dma_start3A_58 = arith.constant 0 : i32
      %dma_start3A_59 = tpu.memref_slice %arg12[%dma_start3A_57, %dma_start3A_58] : memref<10240x128xf32, #tpu.memory_space<vmem_shared>> -> memref<10240x128xf32, #tpu.memory_space<vmem_shared>>
      tpu.enqueue_indirect_dma source(%arg10 : memref<128x128xf32, #tpu.memory_space<vmem>>) target(%dma_start3A_59 : memref<10240x128xf32, #tpu.memory_space<vmem_shared>>) offsets(%arg8 : memref<128xi32, #tpu.memory_space<vmem>>) semaphore(%arg17 : memref<!tpu.dma_semaphore, #tpu.memory_space<semaphore_mem>>) {add = true}
      %mul3A_60 = arith.constant 2 : i32
      %mul3A_61 = arith.muli %mul3A_60, %scan3A_28 : i32
      %add3A_62 = arith.constant 2 : i32
      %add3A_63 = arith.addi %mul3A_61, %add3A_62 : i32
      %lt3A = arith.constant 80 : i32
      %lt3A_64 = arith.cmpi slt, %add3A_63, %lt3A : i32
      %convert_element_type3A_65 = arith.extui %lt3A_64 : i1 to i32
      %cond3A_66 = arith.constant 0 : i32
      %cond3A_67 = arith.cmpi ne, %convert_element_type3A_65, %cond3A_66 : i32
      scf.if %cond3A_67 {
        %dma_wait3A_78 = arith.constant 0 : i32
        %dma_wait3A_79 = arith.constant 0 : i32
        %dma_wait3A_80 = tpu.memref_slice %arg12[%dma_wait3A_78, %dma_wait3A_79] : memref<10240x128xf32, #tpu.memory_space<vmem_shared>> -> memref<10240x128xf32, #tpu.memory_space<vmem_shared>>
        tpu.wait_indirect_dma semaphore(%arg17 : memref<!tpu.dma_semaphore, #tpu.memory_space<semaphore_mem>>) src(%arg10 : memref<128x128xf32, #tpu.memory_space<vmem>>) dst(%dma_wait3A_80 : memref<10240x128xf32, #tpu.memory_space<vmem_shared>>)
        %add3A_81 = arith.addi %mul3A_2, %mul3A_40 : i32
        %dma_start3A_82 = tpu.memref_slice %arg4[%add3A_81] : memref<327680xi32, #tpu.memory_space<hbm>> -> memref<128xi32, #tpu.memory_space<hbm>>
        %dma_start3A_83 = tpu.memref_slice %arg4[%add3A_81] : memref<327680xi32, #tpu.memory_space<hbm>> -> memref<128xi32, #tpu.memory_space<hbm>>
        tpu.enqueue_dma source(%dma_start3A_83 : memref<128xi32, #tpu.memory_space<hbm>>) target(%arg8 : memref<128xi32, #tpu.memory_space<vmem>>) target_semaphore(%arg13 : memref<!tpu.dma_semaphore, #tpu.memory_space<semaphore_mem>>)
        %dma_start3A_84 = tpu.memref_slice %arg7[%mul3A_40] : memref<10240xi32, #tpu.memory_space<vmem>> -> memref<128xi32, #tpu.memory_space<vmem>>
        %dma_start3A_85 = arith.constant 0 : i32
        %dma_start3A_86 = arith.constant 0 : i32
        %dma_start3A_87 = tpu.memref_slice %arg2[%dma_start3A_85, %dma_start3A_86] : memref<10240x128xf32, #tpu.memory_space<hbm>> -> memref<10240x128xf32, #tpu.memory_space<hbm>>
        tpu.enqueue_indirect_dma source(%dma_start3A_87 : memref<10240x128xf32, #tpu.memory_space<hbm>>) target(%arg10 : memref<128x128xf32, #tpu.memory_space<vmem>>) offsets(%dma_start3A_84 : memref<128xi32, #tpu.memory_space<vmem>>) semaphore(%arg15 : memref<!tpu.dma_semaphore, #tpu.memory_space<semaphore_mem>>)
      } else {
      }
      %dma_wait3A_68 = arith.constant 0 : i32
      %dma_wait3A_69 = tpu.memref_slice %arg7[%dma_wait3A_68] : memref<10240xi32, #tpu.memory_space<vmem>> -> memref<128xi32, #tpu.memory_space<vmem>>
      %dma_wait3A_70 = arith.constant 0 : i32
      %dma_wait3A_71 = arith.constant 0 : i32
      %dma_wait3A_72 = tpu.memref_slice %arg2[%dma_wait3A_70, %dma_wait3A_71] : memref<10240x128xf32, #tpu.memory_space<hbm>> -> memref<10240x128xf32, #tpu.memory_space<hbm>>
      tpu.wait_indirect_dma semaphore(%arg16 : memref<!tpu.dma_semaphore, #tpu.memory_space<semaphore_mem>>) src(%dma_wait3A_72 : memref<10240x128xf32, #tpu.memory_space<hbm>>) dst(%arg11 : memref<128x128xf32, #tpu.memory_space<vmem>>)
      %dma_wait3A_73 = tpu.memref_slice %arg4[%mul3A_2] : memref<327680xi32, #tpu.memory_space<hbm>> -> memref<128xi32, #tpu.memory_space<hbm>>
      %dma_wait3A_74 = tpu.memref_slice %arg4[%mul3A_2] : memref<327680xi32, #tpu.memory_space<hbm>> -> memref<128xi32, #tpu.memory_space<hbm>>
      tpu.wait_dma2 semaphore(%arg14 : memref<!tpu.dma_semaphore, #tpu.memory_space<semaphore_mem>>) src(%dma_wait3A_74 : memref<128xi32, #tpu.memory_space<hbm>>) dst(%arg9 : memref<128xi32, #tpu.memory_space<vmem>>)
      %dma_start3A_75 = arith.constant 0 : i32
      %dma_start3A_76 = arith.constant 0 : i32
      %dma_start3A_77 = tpu.memref_slice %arg12[%dma_start3A_75, %dma_start3A_76] : memref<10240x128xf32, #tpu.memory_space<vmem_shared>> -> memref<10240x128xf32, #tpu.memory_space<vmem_shared>>
      tpu.enqueue_indirect_dma source(%arg11 : memref<128x128xf32, #tpu.memory_space<vmem>>) target(%dma_start3A_77 : memref<10240x128xf32, #tpu.memory_space<vmem_shared>>) offsets(%arg9 : memref<128xi32, #tpu.memory_space<vmem>>) semaphore(%arg18 : memref<!tpu.dma_semaphore, #tpu.memory_space<semaphore_mem>>) {add = true}
    }
    %scan3A_17 = arith.constant 40 : i32
    %dma_wait3A = arith.constant 0 : i32
    %dma_wait3A_18 = arith.constant 0 : i32
    %dma_wait3A_19 = tpu.memref_slice %arg12[%dma_wait3A, %dma_wait3A_18] : memref<10240x128xf32, #tpu.memory_space<vmem_shared>> -> memref<10240x128xf32, #tpu.memory_space<vmem_shared>>
    tpu.wait_indirect_dma semaphore(%arg17 : memref<!tpu.dma_semaphore, #tpu.memory_space<semaphore_mem>>) src(%arg10 : memref<128x128xf32, #tpu.memory_space<vmem>>) dst(%dma_wait3A_19 : memref<10240x128xf32, #tpu.memory_space<vmem_shared>>)
    %dma_wait3A_20 = arith.constant 0 : i32
    %dma_wait3A_21 = arith.constant 0 : i32
    %dma_wait3A_22 = tpu.memref_slice %arg12[%dma_wait3A_20, %dma_wait3A_21] : memref<10240x128xf32, #tpu.memory_space<vmem_shared>> -> memref<10240x128xf32, #tpu.memory_space<vmem_shared>>
    tpu.wait_indirect_dma semaphore(%arg18 : memref<!tpu.dma_semaphore, #tpu.memory_space<semaphore_mem>>) src(%arg11 : memref<128x128xf32, #tpu.memory_space<vmem>>) dst(%dma_wait3A_22 : memref<10240x128xf32, #tpu.memory_space<vmem_shared>>)
    %barrier3A_23 = arith.constant 0 : index
    tpu.barrier barrier_id(%barrier3A_23)
    %mul3A_24 = arith.constant 640 : i32
    %mul3A_25 = arith.muli %arg1, %mul3A_24 : i32
    %mul3A_26 = arith.constant 640 : i32
    %mul3A_27 = arith.muli %arg1, %mul3A_26 : i32
    "tpu.region"() ({
      %run_scoped3A = tpu.sem_alloc : memref<!tpu.dma_semaphore, #tpu.memory_space<semaphore_mem>>
      %dma_start3A_28 = arith.constant 0 : i32
      %dma_start3A_29 = tpu.memref_slice %arg6[%arg0, %mul3A_27, %dma_start3A_28] : memref<2x10240x128xf32, #tpu.memory_space<hbm>> -> memref<1x640x128xf32, #tpu.memory_space<hbm>>
      %dma_start3A_30 = tpu.memref_squeeze %dma_start3A_29 : memref<1x640x128xf32, #tpu.memory_space<hbm>> -> memref<640x128xf32, #tpu.memory_space<hbm>>
      %dma_start3A_31 = arith.constant 0 : i32
      %dma_start3A_32 = tpu.memref_slice %arg12[%mul3A_25, %dma_start3A_31] : memref<10240x128xf32, #tpu.memory_space<vmem_shared>> -> memref<640x128xf32, #tpu.memory_space<vmem_shared>>
      tpu.enqueue_dma source(%dma_start3A_32 : memref<640x128xf32, #tpu.memory_space<vmem_shared>>) target(%dma_start3A_30 : memref<640x128xf32, #tpu.memory_space<hbm>>) target_semaphore(%run_scoped3A : memref<!tpu.dma_semaphore, #tpu.memory_space<semaphore_mem>>)
      %dma_wait3A_33 = arith.constant 0 : i32
      %dma_wait3A_34 = tpu.memref_slice %arg6[%arg0, %mul3A_27, %dma_wait3A_33] : memref<2x10240x128xf32, #tpu.memory_space<hbm>> -> memref<1x640x128xf32, #tpu.memory_space<hbm>>
      %dma_wait3A_35 = tpu.memref_squeeze %dma_wait3A_34 : memref<1x640x128xf32, #tpu.memory_space<hbm>> -> memref<640x128xf32, #tpu.memory_space<hbm>>
      %dma_wait3A_36 = arith.constant 0 : i32
      %dma_wait3A_37 = tpu.memref_slice %arg12[%mul3A_25, %dma_wait3A_36] : memref<10240x128xf32, #tpu.memory_space<vmem_shared>> -> memref<640x128xf32, #tpu.memory_space<vmem_shared>>
      tpu.wait_dma2 semaphore(%run_scoped3A : memref<!tpu.dma_semaphore, #tpu.memory_space<semaphore_mem>>) src(%dma_wait3A_37 : memref<640x128xf32, #tpu.memory_space<vmem_shared>>) dst(%dma_wait3A_35 : memref<640x128xf32, #tpu.memory_space<hbm>>)
      tpu.yield
    }) : () -> ()
    return
  }
}

#map = affine_map<(d0, d1) -> (0)>
#map1 = affine_map<(d0, d1) -> (0, 0)>
#map2 = affine_map<(d0, d1) -> (0, 0, 0)>
module attributes {stable_mosaic.version = 14 : i64} {
  func.func @deg(%arg0: i32, %arg1: i32, %arg2: memref<327680xi32, #tpu.memory_space<hbm>>, %arg3: memref<128x128xf32, #tpu.memory_space<hbm>>, %arg4: memref<10240x128xf32, #tpu.memory_space<hbm>>, %arg5: memref<2x10240x128xf32, #tpu.memory_space<hbm>>, %arg6: memref<128xi32, #tpu.memory_space<vmem>>, %arg7: memref<128xi32, #tpu.memory_space<vmem>>, %arg8: memref<128x128xf32, #tpu.memory_space<vmem>>, %arg9: memref<10240x128xf32, #tpu.memory_space<vmem_shared>>, %arg10: memref<!tpu.dma_semaphore, #tpu.memory_space<semaphore_mem>>, %arg11: memref<!tpu.dma_semaphore, #tpu.memory_space<semaphore_mem>>, %arg12: memref<!tpu.dma_semaphore, #tpu.memory_space<semaphore_mem>>, %arg13: memref<!tpu.dma_semaphore, #tpu.memory_space<semaphore_mem>>) attributes {dimension_semantics = [#tpu.dimension_semantics<core_parallel>, #tpu.dimension_semantics<subcore_parallel>], iteration_bounds = array<i64: 2, 16>, scalar_prefetch = 0 : i64, scratch_operands = 8 : i64, tpu.core_type = #tpu.core_type<sc_vector_subcore>, window_params = [{transform_indices = #map}, {transform_indices = #map1}, {transform_indices = #map1}, {transform_indices = #map2}]} {
    %mul3A = arith.constant 16 : i32
    %mul3A_0 = arith.muli %arg0, %mul3A : i32
    %add3A = arith.addi %mul3A_0, %arg1 : i32
    %mul3A_1 = arith.constant 10240 : i32
    %mul3A_2 = arith.muli %add3A, %mul3A_1 : i32
    "tpu.region"() ({
      %run_scoped3A = tpu.sem_alloc : memref<!tpu.dma_semaphore, #tpu.memory_space<semaphore_mem>>
      tpu.enqueue_dma source(%arg3 : memref<128x128xf32, #tpu.memory_space<hbm>>) target(%arg8 : memref<128x128xf32, #tpu.memory_space<vmem>>) target_semaphore(%run_scoped3A : memref<!tpu.dma_semaphore, #tpu.memory_space<semaphore_mem>>)
      tpu.wait_dma2 semaphore(%run_scoped3A : memref<!tpu.dma_semaphore, #tpu.memory_space<semaphore_mem>>) src(%arg3 : memref<128x128xf32, #tpu.memory_space<hbm>>) dst(%arg8 : memref<128x128xf32, #tpu.memory_space<vmem>>)
      tpu.yield
    }) : () -> ()
    %mul3A_3 = arith.constant 640 : i32
    %mul3A_4 = arith.muli %arg1, %mul3A_3 : i32
    %mul3A_5 = arith.constant 640 : i32
    %mul3A_6 = arith.muli %arg1, %mul3A_5 : i32
    "tpu.region"() ({
      %run_scoped3A = tpu.sem_alloc : memref<!tpu.dma_semaphore, #tpu.memory_space<semaphore_mem>>
      %dma_start3A_23 = arith.constant 0 : i32
      %dma_start3A_24 = tpu.memref_slice %arg9[%mul3A_6, %dma_start3A_23] : memref<10240x128xf32, #tpu.memory_space<vmem_shared>> -> memref<640x128xf32, #tpu.memory_space<vmem_shared>>
      %dma_start3A_25 = arith.constant 0 : i32
      %dma_start3A_26 = tpu.memref_slice %arg4[%mul3A_4, %dma_start3A_25] : memref<10240x128xf32, #tpu.memory_space<hbm>> -> memref<640x128xf32, #tpu.memory_space<hbm>>
      tpu.enqueue_dma source(%dma_start3A_26 : memref<640x128xf32, #tpu.memory_space<hbm>>) target(%dma_start3A_24 : memref<640x128xf32, #tpu.memory_space<vmem_shared>>) target_semaphore(%run_scoped3A : memref<!tpu.dma_semaphore, #tpu.memory_space<semaphore_mem>>)
      %dma_wait3A_27 = arith.constant 0 : i32
      %dma_wait3A_28 = tpu.memref_slice %arg9[%mul3A_6, %dma_wait3A_27] : memref<10240x128xf32, #tpu.memory_space<vmem_shared>> -> memref<640x128xf32, #tpu.memory_space<vmem_shared>>
      %dma_wait3A_29 = arith.constant 0 : i32
      %dma_wait3A_30 = tpu.memref_slice %arg4[%mul3A_4, %dma_wait3A_29] : memref<10240x128xf32, #tpu.memory_space<hbm>> -> memref<640x128xf32, #tpu.memory_space<hbm>>
      tpu.wait_dma2 semaphore(%run_scoped3A : memref<!tpu.dma_semaphore, #tpu.memory_space<semaphore_mem>>) src(%dma_wait3A_30 : memref<640x128xf32, #tpu.memory_space<hbm>>) dst(%dma_wait3A_28 : memref<640x128xf32, #tpu.memory_space<vmem_shared>>)
      tpu.yield
    }) : () -> ()
    %dma_start3A = tpu.memref_slice %arg2[%mul3A_2] : memref<327680xi32, #tpu.memory_space<hbm>> -> memref<128xi32, #tpu.memory_space<hbm>>
    %dma_start3A_7 = tpu.memref_slice %arg2[%mul3A_2] : memref<327680xi32, #tpu.memory_space<hbm>> -> memref<128xi32, #tpu.memory_space<hbm>>
    tpu.enqueue_dma source(%dma_start3A_7 : memref<128xi32, #tpu.memory_space<hbm>>) target(%arg6 : memref<128xi32, #tpu.memory_space<vmem>>) target_semaphore(%arg10 : memref<!tpu.dma_semaphore, #tpu.memory_space<semaphore_mem>>)
    %barrier3A = arith.constant 0 : index
    tpu.barrier barrier_id(%barrier3A)
    %scan3A = arith.constant 0 : i32
    %scan3A_8 = arith.constant 0 : i32
    %scan3A_9 = arith.constant 40 : i32
    %scan3A_10 = arith.addi %scan3A_8, %scan3A_9 : i32
    %scan3A_11 = arith.constant 1 : i32
    scf.for %scan3A_23 = %scan3A_8 to %scan3A_10 step %scan3A_11  : i32 {
      %mul3A_24 = arith.constant 2 : i32
      %mul3A_25 = arith.muli %mul3A_24, %scan3A_23 : i32
      %add3A_26 = arith.constant 1 : i32
      %add3A_27 = arith.addi %mul3A_25, %add3A_26 : i32
      %mul3A_28 = arith.constant 128 : i32
      %mul3A_29 = arith.muli %add3A_27, %mul3A_28 : i32
      %add3A_30 = arith.addi %mul3A_2, %mul3A_29 : i32
      %mul3A_31 = arith.constant 2 : i32
      %mul3A_32 = arith.muli %mul3A_31, %scan3A_23 : i32
      %add3A_33 = arith.constant 2 : i32
      %add3A_34 = arith.addi %mul3A_32, %add3A_33 : i32
      %mul3A_35 = arith.constant 128 : i32
      %mul3A_36 = arith.muli %add3A_34, %mul3A_35 : i32
      %add3A_37 = arith.addi %mul3A_2, %mul3A_36 : i32
      %gt3A = arith.constant 0 : i32
      %gt3A_38 = arith.cmpi sgt, %scan3A_23, %gt3A : i32
      %convert_element_type3A = arith.extui %gt3A_38 : i1 to i32
      %cond3A = arith.constant 0 : i32
      %cond3A_39 = arith.cmpi ne, %convert_element_type3A, %cond3A : i32
      scf.if %cond3A_39 {
        %dma_wait3A_60 = arith.constant 0 : i32
        %dma_wait3A_61 = arith.constant 0 : i32
        %dma_wait3A_62 = tpu.memref_slice %arg9[%dma_wait3A_60, %dma_wait3A_61] : memref<10240x128xf32, #tpu.memory_space<vmem_shared>> -> memref<10240x128xf32, #tpu.memory_space<vmem_shared>>
        tpu.wait_indirect_dma semaphore(%arg13 : memref<!tpu.dma_semaphore, #tpu.memory_space<semaphore_mem>>) src(%arg8 : memref<128x128xf32, #tpu.memory_space<vmem>>) dst(%dma_wait3A_62 : memref<10240x128xf32, #tpu.memory_space<vmem_shared>>)
      } else {
      }
      %dma_start3A_40 = tpu.memref_slice %arg2[%add3A_30] : memref<327680xi32, #tpu.memory_space<hbm>> -> memref<128xi32, #tpu.memory_space<hbm>>
      %dma_start3A_41 = tpu.memref_slice %arg2[%add3A_30] : memref<327680xi32, #tpu.memory_space<hbm>> -> memref<128xi32, #tpu.memory_space<hbm>>
      tpu.enqueue_dma source(%dma_start3A_41 : memref<128xi32, #tpu.memory_space<hbm>>) target(%arg7 : memref<128xi32, #tpu.memory_space<vmem>>) target_semaphore(%arg11 : memref<!tpu.dma_semaphore, #tpu.memory_space<semaphore_mem>>)
      %dma_wait3A_42 = tpu.memref_slice %arg2[%mul3A_2] : memref<327680xi32, #tpu.memory_space<hbm>> -> memref<128xi32, #tpu.memory_space<hbm>>
      %dma_wait3A_43 = tpu.memref_slice %arg2[%mul3A_2] : memref<327680xi32, #tpu.memory_space<hbm>> -> memref<128xi32, #tpu.memory_space<hbm>>
      tpu.wait_dma2 semaphore(%arg10 : memref<!tpu.dma_semaphore, #tpu.memory_space<semaphore_mem>>) src(%dma_wait3A_43 : memref<128xi32, #tpu.memory_space<hbm>>) dst(%arg6 : memref<128xi32, #tpu.memory_space<vmem>>)
      %dma_start3A_44 = arith.constant 0 : i32
      %dma_start3A_45 = arith.constant 0 : i32
      %dma_start3A_46 = tpu.memref_slice %arg9[%dma_start3A_44, %dma_start3A_45] : memref<10240x128xf32, #tpu.memory_space<vmem_shared>> -> memref<10240x128xf32, #tpu.memory_space<vmem_shared>>
      tpu.enqueue_indirect_dma source(%arg8 : memref<128x128xf32, #tpu.memory_space<vmem>>) target(%dma_start3A_46 : memref<10240x128xf32, #tpu.memory_space<vmem_shared>>) offsets(%arg6 : memref<128xi32, #tpu.memory_space<vmem>>) semaphore(%arg12 : memref<!tpu.dma_semaphore, #tpu.memory_space<semaphore_mem>>) {add = true}
      %mul3A_47 = arith.constant 2 : i32
      %mul3A_48 = arith.muli %mul3A_47, %scan3A_23 : i32
      %add3A_49 = arith.constant 2 : i32
      %add3A_50 = arith.addi %mul3A_48, %add3A_49 : i32
      %lt3A = arith.constant 80 : i32
      %lt3A_51 = arith.cmpi slt, %add3A_50, %lt3A : i32
      %convert_element_type3A_52 = arith.extui %lt3A_51 : i1 to i32
      %cond3A_53 = arith.constant 0 : i32
      %cond3A_54 = arith.cmpi ne, %convert_element_type3A_52, %cond3A_53 : i32
      scf.if %cond3A_54 {
        %dma_wait3A_60 = arith.constant 0 : i32
        %dma_wait3A_61 = arith.constant 0 : i32
        %dma_wait3A_62 = tpu.memref_slice %arg9[%dma_wait3A_60, %dma_wait3A_61] : memref<10240x128xf32, #tpu.memory_space<vmem_shared>> -> memref<10240x128xf32, #tpu.memory_space<vmem_shared>>
        tpu.wait_indirect_dma semaphore(%arg12 : memref<!tpu.dma_semaphore, #tpu.memory_space<semaphore_mem>>) src(%arg8 : memref<128x128xf32, #tpu.memory_space<vmem>>) dst(%dma_wait3A_62 : memref<10240x128xf32, #tpu.memory_space<vmem_shared>>)
        %dma_start3A_63 = tpu.memref_slice %arg2[%add3A_37] : memref<327680xi32, #tpu.memory_space<hbm>> -> memref<128xi32, #tpu.memory_space<hbm>>
        %dma_start3A_64 = tpu.memref_slice %arg2[%add3A_37] : memref<327680xi32, #tpu.memory_space<hbm>> -> memref<128xi32, #tpu.memory_space<hbm>>
        tpu.enqueue_dma source(%dma_start3A_64 : memref<128xi32, #tpu.memory_space<hbm>>) target(%arg6 : memref<128xi32, #tpu.memory_space<vmem>>) target_semaphore(%arg10 : memref<!tpu.dma_semaphore, #tpu.memory_space<semaphore_mem>>)
      } else {
      }
      %dma_wait3A_55 = tpu.memref_slice %arg2[%mul3A_2] : memref<327680xi32, #tpu.memory_space<hbm>> -> memref<128xi32, #tpu.memory_space<hbm>>
      %dma_wait3A_56 = tpu.memref_slice %arg2[%mul3A_2] : memref<327680xi32, #tpu.memory_space<hbm>> -> memref<128xi32, #tpu.memory_space<hbm>>
      tpu.wait_dma2 semaphore(%arg11 : memref<!tpu.dma_semaphore, #tpu.memory_space<semaphore_mem>>) src(%dma_wait3A_56 : memref<128xi32, #tpu.memory_space<hbm>>) dst(%arg7 : memref<128xi32, #tpu.memory_space<vmem>>)
      %dma_start3A_57 = arith.constant 0 : i32
      %dma_start3A_58 = arith.constant 0 : i32
      %dma_start3A_59 = tpu.memref_slice %arg9[%dma_start3A_57, %dma_start3A_58] : memref<10240x128xf32, #tpu.memory_space<vmem_shared>> -> memref<10240x128xf32, #tpu.memory_space<vmem_shared>>
      tpu.enqueue_indirect_dma source(%arg8 : memref<128x128xf32, #tpu.memory_space<vmem>>) target(%dma_start3A_59 : memref<10240x128xf32, #tpu.memory_space<vmem_shared>>) offsets(%arg7 : memref<128xi32, #tpu.memory_space<vmem>>) semaphore(%arg13 : memref<!tpu.dma_semaphore, #tpu.memory_space<semaphore_mem>>) {add = true}
    }
    %scan3A_12 = arith.constant 40 : i32
    %dma_wait3A = arith.constant 0 : i32
    %dma_wait3A_13 = arith.constant 0 : i32
    %dma_wait3A_14 = tpu.memref_slice %arg9[%dma_wait3A, %dma_wait3A_13] : memref<10240x128xf32, #tpu.memory_space<vmem_shared>> -> memref<10240x128xf32, #tpu.memory_space<vmem_shared>>
    tpu.wait_indirect_dma semaphore(%arg12 : memref<!tpu.dma_semaphore, #tpu.memory_space<semaphore_mem>>) src(%arg8 : memref<128x128xf32, #tpu.memory_space<vmem>>) dst(%dma_wait3A_14 : memref<10240x128xf32, #tpu.memory_space<vmem_shared>>)
    %dma_wait3A_15 = arith.constant 0 : i32
    %dma_wait3A_16 = arith.constant 0 : i32
    %dma_wait3A_17 = tpu.memref_slice %arg9[%dma_wait3A_15, %dma_wait3A_16] : memref<10240x128xf32, #tpu.memory_space<vmem_shared>> -> memref<10240x128xf32, #tpu.memory_space<vmem_shared>>
    tpu.wait_indirect_dma semaphore(%arg13 : memref<!tpu.dma_semaphore, #tpu.memory_space<semaphore_mem>>) src(%arg8 : memref<128x128xf32, #tpu.memory_space<vmem>>) dst(%dma_wait3A_17 : memref<10240x128xf32, #tpu.memory_space<vmem_shared>>)
    %barrier3A_18 = arith.constant 0 : index
    tpu.barrier barrier_id(%barrier3A_18)
    %mul3A_19 = arith.constant 640 : i32
    %mul3A_20 = arith.muli %arg1, %mul3A_19 : i32
    %mul3A_21 = arith.constant 640 : i32
    %mul3A_22 = arith.muli %arg1, %mul3A_21 : i32
    "tpu.region"() ({
      %run_scoped3A = tpu.sem_alloc : memref<!tpu.dma_semaphore, #tpu.memory_space<semaphore_mem>>
      %dma_start3A_23 = arith.constant 0 : i32
      %dma_start3A_24 = tpu.memref_slice %arg5[%arg0, %mul3A_22, %dma_start3A_23] : memref<2x10240x128xf32, #tpu.memory_space<hbm>> -> memref<1x640x128xf32, #tpu.memory_space<hbm>>
      %dma_start3A_25 = tpu.memref_squeeze %dma_start3A_24 : memref<1x640x128xf32, #tpu.memory_space<hbm>> -> memref<640x128xf32, #tpu.memory_space<hbm>>
      %dma_start3A_26 = arith.constant 0 : i32
      %dma_start3A_27 = tpu.memref_slice %arg9[%mul3A_20, %dma_start3A_26] : memref<10240x128xf32, #tpu.memory_space<vmem_shared>> -> memref<640x128xf32, #tpu.memory_space<vmem_shared>>
      tpu.enqueue_dma source(%dma_start3A_27 : memref<640x128xf32, #tpu.memory_space<vmem_shared>>) target(%dma_start3A_25 : memref<640x128xf32, #tpu.memory_space<hbm>>) target_semaphore(%run_scoped3A : memref<!tpu.dma_semaphore, #tpu.memory_space<semaphore_mem>>)
      %dma_wait3A_28 = arith.constant 0 : i32
      %dma_wait3A_29 = tpu.memref_slice %arg5[%arg0, %mul3A_22, %dma_wait3A_28] : memref<2x10240x128xf32, #tpu.memory_space<hbm>> -> memref<1x640x128xf32, #tpu.memory_space<hbm>>
      %dma_wait3A_30 = tpu.memref_squeeze %dma_wait3A_29 : memref<1x640x128xf32, #tpu.memory_space<hbm>> -> memref<640x128xf32, #tpu.memory_space<hbm>>
      %dma_wait3A_31 = arith.constant 0 : i32
      %dma_wait3A_32 = tpu.memref_slice %arg9[%mul3A_20, %dma_wait3A_31] : memref<10240x128xf32, #tpu.memory_space<vmem_shared>> -> memref<640x128xf32, #tpu.memory_space<vmem_shared>>
      tpu.wait_dma2 semaphore(%run_scoped3A : memref<!tpu.dma_semaphore, #tpu.memory_space<semaphore_mem>>) src(%dma_wait3A_32 : memref<640x128xf32, #tpu.memory_space<vmem_shared>>) dst(%dma_wait3A_30 : memref<640x128xf32, #tpu.memory_space<hbm>>)
      tpu.yield
    }) : () -> ()
    return
  }
}

#map = affine_map<(d0, d1) -> (0, 0)>
#map1 = affine_map<(d0, d1) -> (0)>
#map2 = affine_map<(d0, d1) -> (0, 0, 0)>
module attributes {stable_mosaic.version = 14 : i64} {
  func.func @agg(%arg0: i32, %arg1: i32, %arg2: memref<10240x128xf32, #tpu.memory_space<hbm>>, %arg3: memref<327680xi32, #tpu.memory_space<hbm>>, %arg4: memref<327680xi32, #tpu.memory_space<hbm>>, %arg5: memref<10240x128xf32, #tpu.memory_space<hbm>>, %arg6: memref<2x10240x128xf32, #tpu.memory_space<hbm>>, %arg7: memref<10240xi32, #tpu.memory_space<vmem>>, %arg8: memref<128xi32, #tpu.memory_space<vmem>>, %arg9: memref<128xi32, #tpu.memory_space<vmem>>, %arg10: memref<128x128xf32, #tpu.memory_space<vmem>>, %arg11: memref<128x128xf32, #tpu.memory_space<vmem>>, %arg12: memref<10240x128xf32, #tpu.memory_space<vmem_shared>>, %arg13: memref<!tpu.dma_semaphore, #tpu.memory_space<semaphore_mem>>, %arg14: memref<!tpu.dma_semaphore, #tpu.memory_space<semaphore_mem>>, %arg15: memref<!tpu.dma_semaphore, #tpu.memory_space<semaphore_mem>>, %arg16: memref<!tpu.dma_semaphore, #tpu.memory_space<semaphore_mem>>, %arg17: memref<!tpu.dma_semaphore, #tpu.memory_space<semaphore_mem>>, %arg18: memref<!tpu.dma_semaphore, #tpu.memory_space<semaphore_mem>>) attributes {dimension_semantics = [#tpu.dimension_semantics<core_parallel>, #tpu.dimension_semantics<subcore_parallel>], iteration_bounds = array<i64: 2, 16>, scalar_prefetch = 0 : i64, scratch_operands = 12 : i64, tpu.core_type = #tpu.core_type<sc_vector_subcore>, window_params = [{transform_indices = #map}, {transform_indices = #map1}, {transform_indices = #map1}, {transform_indices = #map}, {transform_indices = #map2}]} {
    %mul3A = arith.constant 16 : i32
    %mul3A_0 = arith.muli %arg0, %mul3A : i32
    %add3A = arith.addi %mul3A_0, %arg1 : i32
    %mul3A_1 = arith.constant 10240 : i32
    %mul3A_2 = arith.muli %add3A, %mul3A_1 : i32
    "tpu.region"() ({
      %run_scoped3A = tpu.sem_alloc : memref<!tpu.dma_semaphore, #tpu.memory_space<semaphore_mem>>
      %dma_start3A_28 = tpu.memref_slice %arg3[%mul3A_2] : memref<327680xi32, #tpu.memory_space<hbm>> -> memref<10240xi32, #tpu.memory_space<hbm>>
      %dma_start3A_29 = tpu.memref_slice %arg3[%mul3A_2] : memref<327680xi32, #tpu.memory_space<hbm>> -> memref<10240xi32, #tpu.memory_space<hbm>>
      tpu.enqueue_dma source(%dma_start3A_29 : memref<10240xi32, #tpu.memory_space<hbm>>) target(%arg7 : memref<10240xi32, #tpu.memory_space<vmem>>) target_semaphore(%run_scoped3A : memref<!tpu.dma_semaphore, #tpu.memory_space<semaphore_mem>>)
      %dma_wait3A_30 = tpu.memref_slice %arg3[%mul3A_2] : memref<327680xi32, #tpu.memory_space<hbm>> -> memref<10240xi32, #tpu.memory_space<hbm>>
      %dma_wait3A_31 = tpu.memref_slice %arg3[%mul3A_2] : memref<327680xi32, #tpu.memory_space<hbm>> -> memref<10240xi32, #tpu.memory_space<hbm>>
      tpu.wait_dma2 semaphore(%run_scoped3A : memref<!tpu.dma_semaphore, #tpu.memory_space<semaphore_mem>>) src(%dma_wait3A_31 : memref<10240xi32, #tpu.memory_space<hbm>>) dst(%arg7 : memref<10240xi32, #tpu.memory_space<vmem>>)
      tpu.yield
    }) : () -> ()
    %mul3A_3 = arith.constant 640 : i32
    %mul3A_4 = arith.muli %arg1, %mul3A_3 : i32
    %mul3A_5 = arith.constant 640 : i32
    %mul3A_6 = arith.muli %arg1, %mul3A_5 : i32
    "tpu.region"() ({
      %run_scoped3A = tpu.sem_alloc : memref<!tpu.dma_semaphore, #tpu.memory_space<semaphore_mem>>
      %dma_start3A_28 = arith.constant 0 : i32
      %dma_start3A_29 = tpu.memref_slice %arg12[%mul3A_6, %dma_start3A_28] : memref<10240x128xf32, #tpu.memory_space<vmem_shared>> -> memref<640x128xf32, #tpu.memory_space<vmem_shared>>
      %dma_start3A_30 = arith.constant 0 : i32
      %dma_start3A_31 = tpu.memref_slice %arg5[%mul3A_4, %dma_start3A_30] : memref<10240x128xf32, #tpu.memory_space<hbm>> -> memref<640x128xf32, #tpu.memory_space<hbm>>
      tpu.enqueue_dma source(%dma_start3A_31 : memref<640x128xf32, #tpu.memory_space<hbm>>) target(%dma_start3A_29 : memref<640x128xf32, #tpu.memory_space<vmem_shared>>) target_semaphore(%run_scoped3A : memref<!tpu.dma_semaphore, #tpu.memory_space<semaphore_mem>>)
      %dma_wait3A_32 = arith.constant 0 : i32
      %dma_wait3A_33 = tpu.memref_slice %arg12[%mul3A_6, %dma_wait3A_32] : memref<10240x128xf32, #tpu.memory_space<vmem_shared>> -> memref<640x128xf32, #tpu.memory_space<vmem_shared>>
      %dma_wait3A_34 = arith.constant 0 : i32
      %dma_wait3A_35 = tpu.memref_slice %arg5[%mul3A_4, %dma_wait3A_34] : memref<10240x128xf32, #tpu.memory_space<hbm>> -> memref<640x128xf32, #tpu.memory_space<hbm>>
      tpu.wait_dma2 semaphore(%run_scoped3A : memref<!tpu.dma_semaphore, #tpu.memory_space<semaphore_mem>>) src(%dma_wait3A_35 : memref<640x128xf32, #tpu.memory_space<hbm>>) dst(%dma_wait3A_33 : memref<640x128xf32, #tpu.memory_space<vmem_shared>>)
      tpu.yield
    }) : () -> ()
    %dma_start3A = tpu.memref_slice %arg4[%mul3A_2] : memref<327680xi32, #tpu.memory_space<hbm>> -> memref<128xi32, #tpu.memory_space<hbm>>
    %dma_start3A_7 = tpu.memref_slice %arg4[%mul3A_2] : memref<327680xi32, #tpu.memory_space<hbm>> -> memref<128xi32, #tpu.memory_space<hbm>>
    tpu.enqueue_dma source(%dma_start3A_7 : memref<128xi32, #tpu.memory_space<hbm>>) target(%arg8 : memref<128xi32, #tpu.memory_space<vmem>>) target_semaphore(%arg13 : memref<!tpu.dma_semaphore, #tpu.memory_space<semaphore_mem>>)
    %dma_start3A_8 = arith.constant 0 : i32
    %dma_start3A_9 = tpu.memref_slice %arg7[%dma_start3A_8] : memref<10240xi32, #tpu.memory_space<vmem>> -> memref<128xi32, #tpu.memory_space<vmem>>
    %dma_start3A_10 = arith.constant 0 : i32
    %dma_start3A_11 = arith.constant 0 : i32
    %dma_start3A_12 = tpu.memref_slice %arg2[%dma_start3A_10, %dma_start3A_11] : memref<10240x128xf32, #tpu.memory_space<hbm>> -> memref<10240x128xf32, #tpu.memory_space<hbm>>
    tpu.enqueue_indirect_dma source(%dma_start3A_12 : memref<10240x128xf32, #tpu.memory_space<hbm>>) target(%arg10 : memref<128x128xf32, #tpu.memory_space<vmem>>) offsets(%dma_start3A_9 : memref<128xi32, #tpu.memory_space<vmem>>) semaphore(%arg15 : memref<!tpu.dma_semaphore, #tpu.memory_space<semaphore_mem>>)
    %barrier3A = arith.constant 0 : index
    tpu.barrier barrier_id(%barrier3A)
    %scan3A = arith.constant 0 : i32
    %scan3A_13 = arith.constant 0 : i32
    %scan3A_14 = arith.constant 40 : i32
    %scan3A_15 = arith.addi %scan3A_13, %scan3A_14 : i32
    %scan3A_16 = arith.constant 1 : i32
    scf.for %scan3A_28 = %scan3A_13 to %scan3A_15 step %scan3A_16  : i32 {
      %mul3A_29 = arith.constant 2 : i32
      %mul3A_30 = arith.muli %mul3A_29, %scan3A_28 : i32
      %add3A_31 = arith.constant 1 : i32
      %add3A_32 = arith.addi %mul3A_30, %add3A_31 : i32
      %mul3A_33 = arith.constant 128 : i32
      %mul3A_34 = arith.muli %add3A_32, %mul3A_33 : i32
      %mul3A_35 = arith.constant 2 : i32
      %mul3A_36 = arith.muli %mul3A_35, %scan3A_28 : i32
      %add3A_37 = arith.constant 2 : i32
      %add3A_38 = arith.addi %mul3A_36, %add3A_37 : i32
      %mul3A_39 = arith.constant 128 : i32
      %mul3A_40 = arith.muli %add3A_38, %mul3A_39 : i32
      %gt3A = arith.constant 0 : i32
      %gt3A_41 = arith.cmpi sgt, %scan3A_28, %gt3A : i32
      %convert_element_type3A = arith.extui %gt3A_41 : i1 to i32
      %cond3A = arith.constant 0 : i32
      %cond3A_42 = arith.cmpi ne, %convert_element_type3A, %cond3A : i32
      scf.if %cond3A_42 {
        %dma_wait3A_78 = arith.constant 0 : i32
        %dma_wait3A_79 = arith.constant 0 : i32
        %dma_wait3A_80 = tpu.memref_slice %arg12[%dma_wait3A_78, %dma_wait3A_79] : memref<10240x128xf32, #tpu.memory_space<vmem_shared>> -> memref<10240x128xf32, #tpu.memory_space<vmem_shared>>
        tpu.wait_indirect_dma semaphore(%arg18 : memref<!tpu.dma_semaphore, #tpu.memory_space<semaphore_mem>>) src(%arg11 : memref<128x128xf32, #tpu.memory_space<vmem>>) dst(%dma_wait3A_80 : memref<10240x128xf32, #tpu.memory_space<vmem_shared>>)
      } else {
      }
      %add3A_43 = arith.addi %mul3A_2, %mul3A_34 : i32
      %dma_start3A_44 = tpu.memref_slice %arg4[%add3A_43] : memref<327680xi32, #tpu.memory_space<hbm>> -> memref<128xi32, #tpu.memory_space<hbm>>
      %dma_start3A_45 = tpu.memref_slice %arg4[%add3A_43] : memref<327680xi32, #tpu.memory_space<hbm>> -> memref<128xi32, #tpu.memory_space<hbm>>
      tpu.enqueue_dma source(%dma_start3A_45 : memref<128xi32, #tpu.memory_space<hbm>>) target(%arg9 : memref<128xi32, #tpu.memory_space<vmem>>) target_semaphore(%arg14 : memref<!tpu.dma_semaphore, #tpu.memory_space<semaphore_mem>>)
      %dma_start3A_46 = tpu.memref_slice %arg7[%mul3A_34] : memref<10240xi32, #tpu.memory_space<vmem>> -> memref<128xi32, #tpu.memory_space<vmem>>
      %dma_start3A_47 = arith.constant 0 : i32
      %dma_start3A_48 = arith.constant 0 : i32
      %dma_start3A_49 = tpu.memref_slice %arg2[%dma_start3A_47, %dma_start3A_48] : memref<10240x128xf32, #tpu.memory_space<hbm>> -> memref<10240x128xf32, #tpu.memory_space<hbm>>
      tpu.enqueue_indirect_dma source(%dma_start3A_49 : memref<10240x128xf32, #tpu.memory_space<hbm>>) target(%arg11 : memref<128x128xf32, #tpu.memory_space<vmem>>) offsets(%dma_start3A_46 : memref<128xi32, #tpu.memory_space<vmem>>) semaphore(%arg16 : memref<!tpu.dma_semaphore, #tpu.memory_space<semaphore_mem>>)
      %dma_wait3A_50 = arith.constant 0 : i32
      %dma_wait3A_51 = tpu.memref_slice %arg7[%dma_wait3A_50] : memref<10240xi32, #tpu.memory_space<vmem>> -> memref<128xi32, #tpu.memory_space<vmem>>
      %dma_wait3A_52 = arith.constant 0 : i32
      %dma_wait3A_53 = arith.constant 0 : i32
      %dma_wait3A_54 = tpu.memref_slice %arg2[%dma_wait3A_52, %dma_wait3A_53] : memref<10240x128xf32, #tpu.memory_space<hbm>> -> memref<10240x128xf32, #tpu.memory_space<hbm>>
      tpu.wait_indirect_dma semaphore(%arg15 : memref<!tpu.dma_semaphore, #tpu.memory_space<semaphore_mem>>) src(%dma_wait3A_54 : memref<10240x128xf32, #tpu.memory_space<hbm>>) dst(%arg10 : memref<128x128xf32, #tpu.memory_space<vmem>>)
      %dma_wait3A_55 = tpu.memref_slice %arg4[%mul3A_2] : memref<327680xi32, #tpu.memory_space<hbm>> -> memref<128xi32, #tpu.memory_space<hbm>>
      %dma_wait3A_56 = tpu.memref_slice %arg4[%mul3A_2] : memref<327680xi32, #tpu.memory_space<hbm>> -> memref<128xi32, #tpu.memory_space<hbm>>
      tpu.wait_dma2 semaphore(%arg13 : memref<!tpu.dma_semaphore, #tpu.memory_space<semaphore_mem>>) src(%dma_wait3A_56 : memref<128xi32, #tpu.memory_space<hbm>>) dst(%arg8 : memref<128xi32, #tpu.memory_space<vmem>>)
      %dma_start3A_57 = arith.constant 0 : i32
      %dma_start3A_58 = arith.constant 0 : i32
      %dma_start3A_59 = tpu.memref_slice %arg12[%dma_start3A_57, %dma_start3A_58] : memref<10240x128xf32, #tpu.memory_space<vmem_shared>> -> memref<10240x128xf32, #tpu.memory_space<vmem_shared>>
      tpu.enqueue_indirect_dma source(%arg10 : memref<128x128xf32, #tpu.memory_space<vmem>>) target(%dma_start3A_59 : memref<10240x128xf32, #tpu.memory_space<vmem_shared>>) offsets(%arg8 : memref<128xi32, #tpu.memory_space<vmem>>) semaphore(%arg17 : memref<!tpu.dma_semaphore, #tpu.memory_space<semaphore_mem>>) {add = true}
      %mul3A_60 = arith.constant 2 : i32
      %mul3A_61 = arith.muli %mul3A_60, %scan3A_28 : i32
      %add3A_62 = arith.constant 2 : i32
      %add3A_63 = arith.addi %mul3A_61, %add3A_62 : i32
      %lt3A = arith.constant 80 : i32
      %lt3A_64 = arith.cmpi slt, %add3A_63, %lt3A : i32
      %convert_element_type3A_65 = arith.extui %lt3A_64 : i1 to i32
      %cond3A_66 = arith.constant 0 : i32
      %cond3A_67 = arith.cmpi ne, %convert_element_type3A_65, %cond3A_66 : i32
      scf.if %cond3A_67 {
        %dma_wait3A_78 = arith.constant 0 : i32
        %dma_wait3A_79 = arith.constant 0 : i32
        %dma_wait3A_80 = tpu.memref_slice %arg12[%dma_wait3A_78, %dma_wait3A_79] : memref<10240x128xf32, #tpu.memory_space<vmem_shared>> -> memref<10240x128xf32, #tpu.memory_space<vmem_shared>>
        tpu.wait_indirect_dma semaphore(%arg17 : memref<!tpu.dma_semaphore, #tpu.memory_space<semaphore_mem>>) src(%arg10 : memref<128x128xf32, #tpu.memory_space<vmem>>) dst(%dma_wait3A_80 : memref<10240x128xf32, #tpu.memory_space<vmem_shared>>)
        %add3A_81 = arith.addi %mul3A_2, %mul3A_40 : i32
        %dma_start3A_82 = tpu.memref_slice %arg4[%add3A_81] : memref<327680xi32, #tpu.memory_space<hbm>> -> memref<128xi32, #tpu.memory_space<hbm>>
        %dma_start3A_83 = tpu.memref_slice %arg4[%add3A_81] : memref<327680xi32, #tpu.memory_space<hbm>> -> memref<128xi32, #tpu.memory_space<hbm>>
        tpu.enqueue_dma source(%dma_start3A_83 : memref<128xi32, #tpu.memory_space<hbm>>) target(%arg8 : memref<128xi32, #tpu.memory_space<vmem>>) target_semaphore(%arg13 : memref<!tpu.dma_semaphore, #tpu.memory_space<semaphore_mem>>)
        %dma_start3A_84 = tpu.memref_slice %arg7[%mul3A_40] : memref<10240xi32, #tpu.memory_space<vmem>> -> memref<128xi32, #tpu.memory_space<vmem>>
        %dma_start3A_85 = arith.constant 0 : i32
        %dma_start3A_86 = arith.constant 0 : i32
        %dma_start3A_87 = tpu.memref_slice %arg2[%dma_start3A_85, %dma_start3A_86] : memref<10240x128xf32, #tpu.memory_space<hbm>> -> memref<10240x128xf32, #tpu.memory_space<hbm>>
        tpu.enqueue_indirect_dma source(%dma_start3A_87 : memref<10240x128xf32, #tpu.memory_space<hbm>>) target(%arg10 : memref<128x128xf32, #tpu.memory_space<vmem>>) offsets(%dma_start3A_84 : memref<128xi32, #tpu.memory_space<vmem>>) semaphore(%arg15 : memref<!tpu.dma_semaphore, #tpu.memory_space<semaphore_mem>>)
      } else {
      }
      %dma_wait3A_68 = arith.constant 0 : i32
      %dma_wait3A_69 = tpu.memref_slice %arg7[%dma_wait3A_68] : memref<10240xi32, #tpu.memory_space<vmem>> -> memref<128xi32, #tpu.memory_space<vmem>>
      %dma_wait3A_70 = arith.constant 0 : i32
      %dma_wait3A_71 = arith.constant 0 : i32
      %dma_wait3A_72 = tpu.memref_slice %arg2[%dma_wait3A_70, %dma_wait3A_71] : memref<10240x128xf32, #tpu.memory_space<hbm>> -> memref<10240x128xf32, #tpu.memory_space<hbm>>
      tpu.wait_indirect_dma semaphore(%arg16 : memref<!tpu.dma_semaphore, #tpu.memory_space<semaphore_mem>>) src(%dma_wait3A_72 : memref<10240x128xf32, #tpu.memory_space<hbm>>) dst(%arg11 : memref<128x128xf32, #tpu.memory_space<vmem>>)
      %dma_wait3A_73 = tpu.memref_slice %arg4[%mul3A_2] : memref<327680xi32, #tpu.memory_space<hbm>> -> memref<128xi32, #tpu.memory_space<hbm>>
      %dma_wait3A_74 = tpu.memref_slice %arg4[%mul3A_2] : memref<327680xi32, #tpu.memory_space<hbm>> -> memref<128xi32, #tpu.memory_space<hbm>>
      tpu.wait_dma2 semaphore(%arg14 : memref<!tpu.dma_semaphore, #tpu.memory_space<semaphore_mem>>) src(%dma_wait3A_74 : memref<128xi32, #tpu.memory_space<hbm>>) dst(%arg9 : memref<128xi32, #tpu.memory_space<vmem>>)
      %dma_start3A_75 = arith.constant 0 : i32
      %dma_start3A_76 = arith.constant 0 : i32
      %dma_start3A_77 = tpu.memref_slice %arg12[%dma_start3A_75, %dma_start3A_76] : memref<10240x128xf32, #tpu.memory_space<vmem_shared>> -> memref<10240x128xf32, #tpu.memory_space<vmem_shared>>
      tpu.enqueue_indirect_dma source(%arg11 : memref<128x128xf32, #tpu.memory_space<vmem>>) target(%dma_start3A_77 : memref<10240x128xf32, #tpu.memory_space<vmem_shared>>) offsets(%arg9 : memref<128xi32, #tpu.memory_space<vmem>>) semaphore(%arg18 : memref<!tpu.dma_semaphore, #tpu.memory_space<semaphore_mem>>) {add = true}
    }
    %scan3A_17 = arith.constant 40 : i32
    %dma_wait3A = arith.constant 0 : i32
    %dma_wait3A_18 = arith.constant 0 : i32
    %dma_wait3A_19 = tpu.memref_slice %arg12[%dma_wait3A, %dma_wait3A_18] : memref<10240x128xf32, #tpu.memory_space<vmem_shared>> -> memref<10240x128xf32, #tpu.memory_space<vmem_shared>>
    tpu.wait_indirect_dma semaphore(%arg17 : memref<!tpu.dma_semaphore, #tpu.memory_space<semaphore_mem>>) src(%arg10 : memref<128x128xf32, #tpu.memory_space<vmem>>) dst(%dma_wait3A_19 : memref<10240x128xf32, #tpu.memory_space<vmem_shared>>)
    %dma_wait3A_20 = arith.constant 0 : i32
    %dma_wait3A_21 = arith.constant 0 : i32
    %dma_wait3A_22 = tpu.memref_slice %arg12[%dma_wait3A_20, %dma_wait3A_21] : memref<10240x128xf32, #tpu.memory_space<vmem_shared>> -> memref<10240x128xf32, #tpu.memory_space<vmem_shared>>
    tpu.wait_indirect_dma semaphore(%arg18 : memref<!tpu.dma_semaphore, #tpu.memory_space<semaphore_mem>>) src(%arg11 : memref<128x128xf32, #tpu.memory_space<vmem>>) dst(%dma_wait3A_22 : memref<10240x128xf32, #tpu.memory_space<vmem_shared>>)
    %barrier3A_23 = arith.constant 0 : index
    tpu.barrier barrier_id(%barrier3A_23)
    %mul3A_24 = arith.constant 640 : i32
    %mul3A_25 = arith.muli %arg1, %mul3A_24 : i32
    %mul3A_26 = arith.constant 640 : i32
    %mul3A_27 = arith.muli %arg1, %mul3A_26 : i32
    "tpu.region"() ({
      %run_scoped3A = tpu.sem_alloc : memref<!tpu.dma_semaphore, #tpu.memory_space<semaphore_mem>>
      %dma_start3A_28 = arith.constant 0 : i32
      %dma_start3A_29 = tpu.memref_slice %arg6[%arg0, %mul3A_27, %dma_start3A_28] : memref<2x10240x128xf32, #tpu.memory_space<hbm>> -> memref<1x640x128xf32, #tpu.memory_space<hbm>>
      %dma_start3A_30 = tpu.memref_squeeze %dma_start3A_29 : memref<1x640x128xf32, #tpu.memory_space<hbm>> -> memref<640x128xf32, #tpu.memory_space<hbm>>
      %dma_start3A_31 = arith.constant 0 : i32
      %dma_start3A_32 = tpu.memref_slice %arg12[%mul3A_25, %dma_start3A_31] : memref<10240x128xf32, #tpu.memory_space<vmem_shared>> -> memref<640x128xf32, #tpu.memory_space<vmem_shared>>
      tpu.enqueue_dma source(%dma_start3A_32 : memref<640x128xf32, #tpu.memory_space<vmem_shared>>) target(%dma_start3A_30 : memref<640x128xf32, #tpu.memory_space<hbm>>) target_semaphore(%run_scoped3A : memref<!tpu.dma_semaphore, #tpu.memory_space<semaphore_mem>>)
      %dma_wait3A_33 = arith.constant 0 : i32
      %dma_wait3A_34 = tpu.memref_slice %arg6[%arg0, %mul3A_27, %dma_wait3A_33] : memref<2x10240x128xf32, #tpu.memory_space<hbm>> -> memref<1x640x128xf32, #tpu.memory_space<hbm>>
      %dma_wait3A_35 = tpu.memref_squeeze %dma_wait3A_34 : memref<1x640x128xf32, #tpu.memory_space<hbm>> -> memref<640x128xf32, #tpu.memory_space<hbm>>
      %dma_wait3A_36 = arith.constant 0 : i32
      %dma_wait3A_37 = tpu.memref_slice %arg12[%mul3A_25, %dma_wait3A_36] : memref<10240x128xf32, #tpu.memory_space<vmem_shared>> -> memref<640x128xf32, #tpu.memory_space<vmem_shared>>
      tpu.wait_dma2 semaphore(%run_scoped3A : memref<!tpu.dma_semaphore, #tpu.memory_space<semaphore_mem>>) src(%dma_wait3A_37 : memref<640x128xf32, #tpu.memory_space<vmem_shared>>) dst(%dma_wait3A_35 : memref<640x128xf32, #tpu.memory_space<hbm>>)
      tpu.yield
    }) : () -> ()
    return
  }
}

module attributes {stable_mosaic.version = 14 : i64} {
  func.func @_tc_pre1_body(%arg0: i32, %arg1: memref<1024x128xf32, #tpu.memory_space<vmem>>, %arg2: memref<128x128xf32, #tpu.memory_space<vmem>>, %arg3: memref<2x1024x128xf32, #tpu.memory_space<vmem>>, %arg4: memref<1024x128xf32, #tpu.memory_space<vmem>>, %arg5: memref<1024x8xf32, #tpu.memory_space<vmem>>) attributes {dimension_semantics = [#tpu.dimension_semantics<arbitrary>], iteration_bounds = array<i64: 10>, scalar_prefetch = 0 : i64, scratch_operands = 0 : i64, tpu.core_type = #tpu.core_type<tc>, window_params = [{transform_indices = @transform_0, window_bounds = array<i64: 1024, 128>}, {pipeline_mode = #tpu.pipeline_mode<synchronous>, transform_indices = @transform_1, window_bounds = array<i64: 128, 128>}, {transform_indices = @transform_2, window_bounds = array<i64: 2, 1024, 128>}, {transform_indices = @transform_3, window_bounds = array<i64: 1024, 128>}, {transform_indices = @transform_4, window_bounds = array<i64: 1024, 8>}]} {
    %get3A = arith.constant 0 : index
    %get3A_0 = arith.constant 0 : index
    %get3A_1 = arith.constant 0 : index
    %get3A_2 = vector.load %arg3[%get3A, %get3A_0, %get3A_1] : memref<2x1024x128xf32, #tpu.memory_space<vmem>>, vector<2x1024x128xf32>
    %slice3A = vector.extract_strided_slice %get3A_2 {offsets = [0, 0, 0], sizes = [1, 1024, 1], strides = [1, 1, 1]} : vector<2x1024x128xf32> to vector<1x1024x1xf32>
    %squeeze3A = vector.shape_cast %slice3A : vector<1x1024x1xf32> to vector<1024x1xf32>
    %slice3A_3 = vector.extract_strided_slice %get3A_2 {offsets = [1, 0, 0], sizes = [1, 1024, 1], strides = [1, 1, 1]} : vector<2x1024x128xf32> to vector<1x1024x1xf32>
    %squeeze3A_4 = vector.shape_cast %slice3A_3 : vector<1x1024x1xf32> to vector<1024x1xf32>
    %add3A = arith.addf %squeeze3A, %squeeze3A_4 : vector<1024x1xf32>
    %add3A_5 = arith.constant 1.000000e+00 : f32
    %add3A_6 = vector.broadcast %add3A_5 : f32 to vector<1024x1xf32>
    %add3A_7 = arith.addf %add3A, %add3A_6 : vector<1024x1xf32>
    %rsqrt3A = math.rsqrt %add3A_7 : vector<1024x1xf32>
    %get3A_8 = arith.constant 0 : index
    %get3A_9 = arith.constant 0 : index
    %get3A_10 = vector.load %arg1[%get3A_8, %get3A_9] : memref<1024x128xf32, #tpu.memory_space<vmem>>, vector<1024x128xf32>
    %get3A_11 = arith.constant 0 : index
    %get3A_12 = arith.constant 0 : index
    %get3A_13 = vector.load %arg2[%get3A_11, %get3A_12] : memref<128x128xf32, #tpu.memory_space<vmem>>, vector<128x128xf32>
    %dot_general3A = arith.constant dense<0.000000e+00> : vector<1024x128xf32>
    %dot_general3A_14 = tpu.matmul %get3A_10, %get3A_13, %dot_general3A {dimension_numbers = #tpu.dot_dimension_numbers<[1], [0], [0], [1], [0, 0, 1, 1], [], []>, transpose_lhs_hint = false} : vector<1024x128xf32>, vector<128x128xf32>, vector<1024x128xf32> -> vector<1024x128xf32>
    %mul3A = vector.broadcast %rsqrt3A : vector<1024x1xf32> to vector<1024x128xf32>
    %mul3A_15 = arith.mulf %dot_general3A_14, %mul3A : vector<1024x128xf32>
    %swap3A = arith.constant 0 : index
    %swap3A_16 = arith.constant 0 : index
    %swap3A_17 = vector.load %arg4[%swap3A, %swap3A_16] : memref<1024x128xf32, #tpu.memory_space<vmem>>, vector<1024x128xf32>
    tpu.vector_store %arg4[%swap3A, %swap3A_16], %mul3A_15 {strides = array<i32>} : memref<1024x128xf32, #tpu.memory_space<vmem>>, vector<1024x128xf32>,
    %broadcast_in_dim3A = vector.shape_cast %rsqrt3A : vector<1024x1xf32> to vector<1024x1xf32>
    %broadcast_in_dim3A_18 = vector.broadcast %broadcast_in_dim3A : vector<1024x1xf32> to vector<1024x8xf32>
    %swap3A_19 = arith.constant 0 : index
    %swap3A_20 = arith.constant 0 : index
    %swap3A_21 = vector.load %arg5[%swap3A_19, %swap3A_20] : memref<1024x8xf32, #tpu.memory_space<vmem>>, vector<1024x8xf32>
    tpu.vector_store %arg5[%swap3A_19, %swap3A_20], %broadcast_in_dim3A_18 {strides = array<i32>} : memref<1024x8xf32, #tpu.memory_space<vmem>>, vector<1024x8xf32>,
    return
  }
  func.func @transform_0(%arg0: i32) -> (i32, i32) {
    %c0_i32 = arith.constant 0 : i32
    %c0_i32_0 = arith.constant 0 : i32
    return %arg0, %c0_i32 : i32, i32
  }
  func.func @transform_1(%arg0: i32) -> (i32, i32) {
    %c0_i32 = arith.constant 0 : i32
    %c0_i32_0 = arith.constant 0 : i32
    %c0_i32_1 = arith.constant 0 : i32
    return %c0_i32, %c0_i32_0 : i32, i32
  }
  func.func @transform_2(%arg0: i32) -> (i32, i32, i32) {
    %c0_i32 = arith.constant 0 : i32
    %c0_i32_0 = arith.constant 0 : i32
    %c0_i32_1 = arith.constant 0 : i32
    return %c0_i32, %arg0, %c0_i32_0 : i32, i32, i32
  }
  func.func @transform_3(%arg0: i32) -> (i32, i32) {
    %c0_i32 = arith.constant 0 : i32
    %c0_i32_0 = arith.constant 0 : i32
    return %arg0, %c0_i32 : i32, i32
  }
  func.func @transform_4(%arg0: i32) -> (i32, i32) {
    %c0_i32 = arith.constant 0 : i32
    %c0_i32_0 = arith.constant 0 : i32
    return %arg0, %c0_i32 : i32, i32
  }
}

module attributes {stable_mosaic.version = 14 : i64} {
  func.func @_tc_mid_body(%arg0: i32, %arg1: memref<2x1024x128xf32, #tpu.memory_space<vmem>>, %arg2: memref<1024x128xf32, #tpu.memory_space<vmem>>, %arg3: memref<1024x8xf32, #tpu.memory_space<vmem>>, %arg4: memref<1x128xf32, #tpu.memory_space<vmem>>, %arg5: memref<128x128xf32, #tpu.memory_space<vmem>>, %arg6: memref<1024x128xf32, #tpu.memory_space<vmem>>) attributes {dimension_semantics = [#tpu.dimension_semantics<arbitrary>], iteration_bounds = array<i64: 10>, scalar_prefetch = 0 : i64, scratch_operands = 0 : i64, tpu.core_type = #tpu.core_type<tc>, window_params = [{transform_indices = @transform_0, window_bounds = array<i64: 2, 1024, 128>}, {transform_indices = @transform_1, window_bounds = array<i64: 1024, 128>}, {transform_indices = @transform_2, window_bounds = array<i64: 1024, 8>}, {pipeline_mode = #tpu.pipeline_mode<synchronous>, transform_indices = @transform_3, window_bounds = array<i64: 1, 128>}, {pipeline_mode = #tpu.pipeline_mode<synchronous>, transform_indices = @transform_4, window_bounds = array<i64: 128, 128>}, {transform_indices = @transform_5, window_bounds = array<i64: 1024, 128>}]} {
    %get3A = arith.constant 0 : index
    %get3A_0 = arith.constant 0 : index
    %get3A_1 = vector.load %arg3[%get3A, %get3A_0] : memref<1024x8xf32, #tpu.memory_space<vmem>>, vector<1024x1xf32>
    %get3A_2 = arith.constant 0 : index
    %get3A_3 = arith.constant 0 : index
    %get3A_4 = arith.constant 0 : index
    %get3A_5 = vector.load %arg1[%get3A_2, %get3A_3, %get3A_4] : memref<2x1024x128xf32, #tpu.memory_space<vmem>>, vector<1x1024x128xf32>
    %get3A_6 = vector.shape_cast %get3A_5 : vector<1x1024x128xf32> to vector<1024x128xf32>
    %get3A_7 = arith.constant 1 : index
    %get3A_8 = arith.constant 0 : index
    %get3A_9 = arith.constant 0 : index
    %get3A_10 = vector.load %arg1[%get3A_7, %get3A_8, %get3A_9] : memref<2x1024x128xf32, #tpu.memory_space<vmem>>, vector<1x1024x128xf32>
    %get3A_11 = vector.shape_cast %get3A_10 : vector<1x1024x128xf32> to vector<1024x128xf32>
    %add3A = arith.addf %get3A_6, %get3A_11 : vector<1024x128xf32>
    %get3A_12 = arith.constant 0 : index
    %get3A_13 = arith.constant 0 : index
    %get3A_14 = vector.load %arg2[%get3A_12, %get3A_13] : memref<1024x128xf32, #tpu.memory_space<vmem>>, vector<1024x128xf32>
    %add3A_15 = arith.addf %add3A, %get3A_14 : vector<1024x128xf32>
    %mul3A = vector.broadcast %get3A_1 : vector<1024x1xf32> to vector<1024x128xf32>
    %mul3A_16 = arith.mulf %add3A_15, %mul3A : vector<1024x128xf32>
    %get3A_17 = arith.constant 0 : index
    %get3A_18 = arith.constant 0 : index
    %get3A_19 = vector.load %arg4[%get3A_17, %get3A_18] : memref<1x128xf32, #tpu.memory_space<vmem>>, vector<1x128xf32>
    %add3A_20 = vector.broadcast %get3A_19 : vector<1x128xf32> to vector<1024x128xf32>
    %add3A_21 = arith.addf %mul3A_16, %add3A_20 : vector<1024x128xf32>
    %max3A = arith.constant 0.000000e+00 : f32
    %max3A_22 = vector.broadcast %max3A : f32 to vector<1024x128xf32>
    %max3A_23 = arith.maximumf %add3A_21, %max3A_22 : vector<1024x128xf32>
    %get3A_24 = arith.constant 0 : index
    %get3A_25 = arith.constant 0 : index
    %get3A_26 = vector.load %arg5[%get3A_24, %get3A_25] : memref<128x128xf32, #tpu.memory_space<vmem>>, vector<128x128xf32>
    %dot_general3A = arith.constant dense<0.000000e+00> : vector<1024x128xf32>
    %dot_general3A_27 = tpu.matmul %max3A_23, %get3A_26, %dot_general3A {dimension_numbers = #tpu.dot_dimension_numbers<[1], [0], [0], [1], [0, 0, 1, 1], [], []>, transpose_lhs_hint = false} : vector<1024x128xf32>, vector<128x128xf32>, vector<1024x128xf32> -> vector<1024x128xf32>
    %mul3A_28 = vector.broadcast %get3A_1 : vector<1024x1xf32> to vector<1024x128xf32>
    %mul3A_29 = arith.mulf %dot_general3A_27, %mul3A_28 : vector<1024x128xf32>
    %swap3A = arith.constant 0 : index
    %swap3A_30 = arith.constant 0 : index
    %swap3A_31 = vector.load %arg6[%swap3A, %swap3A_30] : memref<1024x128xf32, #tpu.memory_space<vmem>>, vector<1024x128xf32>
    tpu.vector_store %arg6[%swap3A, %swap3A_30], %mul3A_29 {strides = array<i32>} : memref<1024x128xf32, #tpu.memory_space<vmem>>, vector<1024x128xf32>,
    return
  }
  func.func @transform_0(%arg0: i32) -> (i32, i32, i32) {
    %c0_i32 = arith.constant 0 : i32
    %c0_i32_0 = arith.constant 0 : i32
    %c0_i32_1 = arith.constant 0 : i32
    return %c0_i32, %arg0, %c0_i32_0 : i32, i32, i32
  }
  func.func @transform_1(%arg0: i32) -> (i32, i32) {
    %c0_i32 = arith.constant 0 : i32
    %c0_i32_0 = arith.constant 0 : i32
    return %arg0, %c0_i32 : i32, i32
  }
  func.func @transform_2(%arg0: i32) -> (i32, i32) {
    %c0_i32 = arith.constant 0 : i32
    %c0_i32_0 = arith.constant 0 : i32
    return %arg0, %c0_i32 : i32, i32
  }
  func.func @transform_3(%arg0: i32) -> (i32, i32) {
    %c0_i32 = arith.constant 0 : i32
    %c0_i32_0 = arith.constant 0 : i32
    %c0_i32_1 = arith.constant 0 : i32
    return %c0_i32, %c0_i32_0 : i32, i32
  }
  func.func @transform_4(%arg0: i32) -> (i32, i32) {
    %c0_i32 = arith.constant 0 : i32
    %c0_i32_0 = arith.constant 0 : i32
    %c0_i32_1 = arith.constant 0 : i32
    return %c0_i32, %c0_i32_0 : i32, i32
  }
  func.func @transform_5(%arg0: i32) -> (i32, i32) {
    %c0_i32 = arith.constant 0 : i32
    %c0_i32_0 = arith.constant 0 : i32
    return %arg0, %c0_i32 : i32, i32
  }
}

module attributes {stable_mosaic.version = 14 : i64} {
  func.func @_tc_fin_body(%arg0: i32, %arg1: memref<2x1024x128xf32, #tpu.memory_space<vmem>>, %arg2: memref<1024x128xf32, #tpu.memory_space<vmem>>, %arg3: memref<1024x8xf32, #tpu.memory_space<vmem>>, %arg4: memref<1x128xf32, #tpu.memory_space<vmem>>, %arg5: memref<1024x128xf32, #tpu.memory_space<vmem>>) attributes {dimension_semantics = [#tpu.dimension_semantics<arbitrary>], iteration_bounds = array<i64: 10>, scalar_prefetch = 0 : i64, scratch_operands = 0 : i64, tpu.core_type = #tpu.core_type<tc>, window_params = [{transform_indices = @transform_0, window_bounds = array<i64: 2, 1024, 128>}, {transform_indices = @transform_1, window_bounds = array<i64: 1024, 128>}, {transform_indices = @transform_2, window_bounds = array<i64: 1024, 8>}, {pipeline_mode = #tpu.pipeline_mode<synchronous>, transform_indices = @transform_3, window_bounds = array<i64: 1, 128>}, {transform_indices = @transform_4, window_bounds = array<i64: 1024, 128>}]} {
    %get3A = arith.constant 0 : index
    %get3A_0 = arith.constant 0 : index
    %get3A_1 = vector.load %arg3[%get3A, %get3A_0] : memref<1024x8xf32, #tpu.memory_space<vmem>>, vector<1024x1xf32>
    %get3A_2 = arith.constant 0 : index
    %get3A_3 = arith.constant 0 : index
    %get3A_4 = arith.constant 0 : index
    %get3A_5 = vector.load %arg1[%get3A_2, %get3A_3, %get3A_4] : memref<2x1024x128xf32, #tpu.memory_space<vmem>>, vector<1x1024x128xf32>
    %get3A_6 = vector.shape_cast %get3A_5 : vector<1x1024x128xf32> to vector<1024x128xf32>
    %get3A_7 = arith.constant 1 : index
    %get3A_8 = arith.constant 0 : index
    %get3A_9 = arith.constant 0 : index
    %get3A_10 = vector.load %arg1[%get3A_7, %get3A_8, %get3A_9] : memref<2x1024x128xf32, #tpu.memory_space<vmem>>, vector<1x1024x128xf32>
    %get3A_11 = vector.shape_cast %get3A_10 : vector<1x1024x128xf32> to vector<1024x128xf32>
    %add3A = arith.addf %get3A_6, %get3A_11 : vector<1024x128xf32>
    %get3A_12 = arith.constant 0 : index
    %get3A_13 = arith.constant 0 : index
    %get3A_14 = vector.load %arg2[%get3A_12, %get3A_13] : memref<1024x128xf32, #tpu.memory_space<vmem>>, vector<1024x128xf32>
    %add3A_15 = arith.addf %add3A, %get3A_14 : vector<1024x128xf32>
    %mul3A = vector.broadcast %get3A_1 : vector<1024x1xf32> to vector<1024x128xf32>
    %mul3A_16 = arith.mulf %add3A_15, %mul3A : vector<1024x128xf32>
    %get3A_17 = arith.constant 0 : index
    %get3A_18 = arith.constant 0 : index
    %get3A_19 = vector.load %arg4[%get3A_17, %get3A_18] : memref<1x128xf32, #tpu.memory_space<vmem>>, vector<1x128xf32>
    %add3A_20 = vector.broadcast %get3A_19 : vector<1x128xf32> to vector<1024x128xf32>
    %add3A_21 = arith.addf %mul3A_16, %add3A_20 : vector<1024x128xf32>
    %iota3A = tpu.iota {dimensions = array<i32: 1>} : vector<1024x128xi32>
    %lt3A = arith.constant 40 : i32
    %lt3A_22 = vector.broadcast %lt3A : i32 to vector<1024x128xi32>
    %lt3A_23 = arith.cmpi slt, %iota3A, %lt3A_22 : vector<1024x128xi32>
    %jit3A = arith.constant -1.000000e+30 : f32
    %broadcast_in_dim3A = vector.broadcast %jit3A : f32 to vector<1024x128xf32>
    %select_n3A = arith.select %lt3A_23, %add3A_21, %broadcast_in_dim3A : vector<1024x128xi1>, vector<1024x128xf32>
    %reduce_max3A = arith.constant dense<0xFF800000> : vector<1024xf32>
    %reduce_max3A_24 = vector.multi_reduction <maximumf>, %select_n3A, %reduce_max3A [1] : vector<1024x128xf32> to vector<1024xf32>
    %broadcast_in_dim3A_25 = vector.shape_cast %reduce_max3A_24 : vector<1024xf32> to vector<1024x1xf32>
    %sub3A = vector.broadcast %broadcast_in_dim3A_25 : vector<1024x1xf32> to vector<1024x128xf32>
    %sub3A_26 = arith.subf %add3A_21, %sub3A : vector<1024x128xf32>
    %exp3A = math.exp %sub3A_26 : vector<1024x128xf32>
    %jit3A_27 = arith.constant 0.000000e+00 : f32
    %broadcast_in_dim3A_28 = vector.broadcast %jit3A_27 : f32 to vector<1024x128xf32>
    %select_n3A_29 = arith.select %lt3A_23, %exp3A, %broadcast_in_dim3A_28 : vector<1024x128xi1>, vector<1024x128xf32>
    %reduce_sum3A = arith.constant dense<0.000000e+00> : vector<1024xf32>
    %reduce_sum3A_30 = vector.multi_reduction <add>, %select_n3A_29, %reduce_sum3A [1] : vector<1024x128xf32> to vector<1024xf32>
    %broadcast_in_dim3A_31 = vector.shape_cast %reduce_sum3A_30 : vector<1024xf32> to vector<1024x1xf32>
    %log3A = math.log %broadcast_in_dim3A_31 : vector<1024x1xf32>
    %sub3A_32 = vector.broadcast %broadcast_in_dim3A_25 : vector<1024x1xf32> to vector<1024x128xf32>
    %sub3A_33 = arith.subf %add3A_21, %sub3A_32 : vector<1024x128xf32>
    %sub3A_34 = vector.broadcast %log3A : vector<1024x1xf32> to vector<1024x128xf32>
    %sub3A_35 = arith.subf %sub3A_33, %sub3A_34 : vector<1024x128xf32>
    %swap3A = arith.constant 0 : index
    %swap3A_36 = arith.constant 0 : index
    %swap3A_37 = vector.load %arg5[%swap3A, %swap3A_36] : memref<1024x128xf32, #tpu.memory_space<vmem>>, vector<1024x128xf32>
    tpu.vector_store %arg5[%swap3A, %swap3A_36], %sub3A_35 {strides = array<i32>} : memref<1024x128xf32, #tpu.memory_space<vmem>>, vector<1024x128xf32>,
    return
  }
  func.func @transform_0(%arg0: i32) -> (i32, i32, i32) {
    %c0_i32 = arith.constant 0 : i32
    %c0_i32_0 = arith.constant 0 : i32
    %c0_i32_1 = arith.constant 0 : i32
    return %c0_i32, %arg0, %c0_i32_0 : i32, i32, i32
  }
  func.func @transform_1(%arg0: i32) -> (i32, i32) {
    %c0_i32 = arith.constant 0 : i32
    %c0_i32_0 = arith.constant 0 : i32
    return %arg0, %c0_i32 : i32, i32
  }
  func.func @transform_2(%arg0: i32) -> (i32, i32) {
    %c0_i32 = arith.constant 0 : i32
    %c0_i32_0 = arith.constant 0 : i32
    return %arg0, %c0_i32 : i32, i32
  }
  func.func @transform_3(%arg0: i32) -> (i32, i32) {
    %c0_i32 = arith.constant 0 : i32
    %c0_i32_0 = arith.constant 0 : i32
    %c0_i32_1 = arith.constant 0 : i32
    return %c0_i32, %c0_i32_0 : i32, i32
  }
  func.func @transform_4(%arg0: i32) -> (i32, i32) {
    %c0_i32 = arith.constant 0 : i32
    %c0_i32_0 = arith.constant 0 : i32
    return %arg0, %c0_i32 : i32, i32
  }
}

</mosaic_0001>

<sc_bundles>
// kernel: kernel.11.cloned.1.call-start
scs
__scs_entry_jumppad:
0x0: {  	(pc) =	sbr.rel $0x88, $3  }
0x1: {  	(tag) =	ssettag $0x0;
	lr =	simm.s32 $0x1  }
0x2: {  	[smem:$0x3F9B] =	sst lr;
	_ =	strace $0xD0000000  }
0x3: {  	_ = 	snop  }
0x4: {  	_ = 	snop  }
0x5: {  	_ = 	snop  }
0x6: {  	_ = 	snop  }
0x7: {  	_ = 	snop  }
__scs_overlays_trampoline_lowered:
0x8: {  	[smem:$0x3FAA] =	sst s0  }
0x9: {  	[smem:$0x3FAB] =	sst s1  }
0xa: {  	[smem:$0x3FAC] =	sst s2  }
0xb: {  	[smem:$0x3FAD] =	sst s3  }
0xc: {  	[smem:$0x3FAE] =	sst s4  }
0xd: {  	[smem:$0x3FAF] =	sst s5  }
0xe: {  	[smem:$0x3FB0] =	sst s6  }
0xf: {  	[smem:$0x3FB1] =	sst s7  }
0x10: {  	[smem:$0x3FB2] =	sst s8  }
0x11: {  	[smem:$0x3FB3] =	sst s9;
	s0 =	simm.s32 @!p0 $0x0  }
0x12: {  	s1 =	sld [smem:$0x3F99];
	s0 =	simm.s32 @p0 $0x1  }
0x13: {  	[smem:$0x3FB4] =	sst s0;
	s0 =	simm.s32 @!p1 $0x0  }
0x14: {  	s2 =	sld [smem:$0x3F98];
	s0 =	simm.s32 @p1 $0x1  }
0x15: {  	[smem:$0x3FB5] =	sst s0;
	s0 =	simm.s32 @!p2 $0x0  }
0x16: {  	s3 =	sld [smem:$0x3FDB];
	s0 =	simm.s32 @p2 $0x1  }
0x17: {  	s4 =	simm.s32 $0x1BF5;
	[smem:$0x3FB7] =	sst s0  }
0x18: {  	s0 =	sld [smem:$0x3F9A];
	_ =	swait.ge [sflag:s4], $0x0  }
0x19: {  	s7 =	sld [smem:$0x3F9B]  }
0x1a: {  	s8 =	sadd.s32 $0xFFFFE003, lr  }
0x1b: {  	s9 =	sadd.s32 $0xFFFFFEF7, lr;
	s5 =	simm.s32 $0xFFFFFFFF;
	p2 =	slt.u32 s8, $0xFFFFF086  }
0x1c: {  	p1 =	slt.u32 s9, $0xF7A;
	s5 =	simm.s32 @!p2 $0x0  }
0x1d: {  	s5 =	simm.s32 @p1 $0x1;
	p0 =	seq.s32 s7, s2  }
0x1e: {  	s7 =	smul.u32 @!p0 $0xF7A, s2;
	p2 =	seq.s32 @!p0 s5, $0x0  }
0x1f: {  	s9 =	smul.u32 $0xF7A, s1;
	s8 =	simm.s32 @!p0 $0x1BF5;
	p2 =	por !p2, p0  }
0x20: {  	[sflag:s8] =	ssyncset.s32 @!p0 $0xFFFFF086;
	s6 =	sadd.s32 @!p0 s3, s7;
	s7 =	simm.s32 @!p0 $0x108  }
0x21: {  	s3 =	sadd.s32 s3, s9;
	s6 =	sadd.s32 @!p0 $0x88, s6;
	s7 =	simm.s32 @p2 $0x1082  }
0x22: {  	[simem:s7], [sflag:s8] =	dma.local @!p0 [hbm:s6], $0xF7A  }
0x23: {  	s9 =	sor.u32 $0xD0000000, s2;
	s6 =	simm.s32 $0x108;
	_ =	swait.ge @!p0 [sflag:s8], $0x0  }
0x24: {  	s3 =	sadd.s32 $0x88, s3;
	s6 =	simm.s32 @!p1 $0x1082;
	[sflag:s4] =	ssyncset.s32 $0xFFFFF086  }
0x25: {  	[simem:s6], [sflag:s4] =	dma.local [hbm:s3], $0xF7A  }
0x26: {  	[smem:$0x3F9B] =	sst s1;
	(tag) =	ssettag s2;
	_ =	strace s9  }
0x27: {  	s1 =	sld [smem:$0x3FAB]  }
0x28: {  	s2 =	sld [smem:$0x3FAC]  }
0x29: {  	s4 =	sld [smem:$0x3FAE]  }
0x2a: {  	p0 =	seq.s32 s5, $0x0;
	s5 =	sld [smem:$0x3FAF]  }
0x2b: {  	s6 =	sld [smem:$0x3FB0]  }
0x2c: {  	s7 =	sld [smem:$0x3FB1]  }
0x2d: {  	s3 =	simm.s32 $0x108;
	s8 =	sld [smem:$0x3FB2]  }
0x2e: {  	s3 =	simm.s32 @!p0 $0x1082;
	s9 =	sld [smem:$0x3FB3]  }
0x2f: {  	lr =	sadd.s32 s0, s3;
	s0 =	sld [smem:$0x3FAA]  }
0x30: {  	s3 =	sld [smem:$0x3FAD]  }
0x31: {  	[smem:$0x3FB6] =	sst s10  }
0x32: {  	s10 =	sld [smem:$0x3FB4];
	_ =	sdelay $0x3  }
0x33: {  	p0 =	seq.s32 s10, $0x1;
	s10 =	sld [smem:$0x3FB6];
	_ =	sdelay $0x3  }
0x34: {  	[smem:$0x3FB6] =	sst s10  }
0x35: {  	s10 =	sld [smem:$0x3FB5];
	_ =	sdelay $0x3  }
0x36: {  	p1 =	seq.s32 s10, $0x1;
	s10 =	sld [smem:$0x3FB6];
	_ =	sdelay $0x3  }
0x37: {  	[smem:$0x3FB6] =	sst s10  }
0x38: {  	s10 =	sld [smem:$0x3FB7]  }
0x39: {  	_ = 	snop;
	(pc) =	sbr.ind lr, $3  }
0x3a: {  	_ = 	snop  }
0x3b: {  	_ = 	snop  }
0x3c: {  	p2 =	seq.s32 s10, $0x1;
	s10 =	sld [smem:$0x3FB6]  }
0x3d: {  	_ =	shalt  }
0x3e: {  	_ =	shalt  }
0x3f: {  	_ =	shalt  }
0x40: {  	_ =	shalt  }
0x41: {  	_ =	shalt  }
0x42: {  	_ =	shalt  }
0x43: {  	_ =	shalt  }
0x44: {  	_ =	shalt  }
0x45: {  	_ =	shalt  }
0x46: {  	_ =	shalt  }
0x47: {  	_ =	shalt  }
0x48: {  	_ =	shalt  }
0x49: {  	_ =	shalt  }
0x4a: {  	_ =	shalt  }
0x4b: {  	_ =	shalt  }
0x4c: {  	_ =	shalt  }
0x4d: {  	_ =	shalt  }
0x4e: {  	_ =	shalt  }
0x4f: {  	_ =	shalt  }
0x50: {  	_ =	shalt  }
0x51: {  	_ =	shalt  }
0x52: {  	_ =	shalt  }
0x53: {  	_ =	shalt  }
0x54: {  	_ =	shalt  }
0x55: {  	_ =	shalt  }
0x56: {  	_ =	shalt  }
0x57: {  	_ =	shalt  }
0x58: {  	_ =	shalt  }
0x59: {  	_ =	shalt  }
0x5a: {  	_ =	shalt  }
0x5b: {  	_ =	shalt  }
0x5c: {  	_ =	shalt  }
0x5d: {  	_ =	shalt  }
0x5e: {  	_ =	shalt  }
0x5f: {  	_ =	shalt  }
0x60: {  	_ =	shalt  }
0x61: {  	_ =	shalt  }
0x62: {  	_ =	shalt  }
0x63: {  	_ =	shalt  }
0x64: {  	_ =	shalt  }
0x65: {  	_ =	shalt  }
0x66: {  	_ =	shalt  }
0x67: {  	_ =	shalt  }
0x68: {  	_ =	shalt  }
0x69: {  	_ =	shalt  }
0x6a: {  	_ =	shalt  }
0x6b: {  	_ =	shalt  }
0x6c: {  	_ =	shalt  }
0x6d: {  	_ =	shalt  }
0x6e: {  	_ =	shalt  }
0x6f: {  	_ =	shalt  }
0x70: {  	_ =	shalt  }
0x71: {  	_ =	shalt  }
0x72: {  	_ =	shalt  }
0x73: {  	_ =	shalt  }
0x74: {  	_ =	shalt  }
0x75: {  	_ =	shalt  }
0x76: {  	_ =	shalt  }
0x77: {  	_ =	shalt  }
0x78: {  	_ =	shalt  }
0x79: {  	_ =	shalt  }
0x7a: {  	_ =	shalt  }
0x7b: {  	_ =	shalt  }
0x7c: {  	_ =	shalt  }
0x7d: {  	_ =	shalt  }
0x7e: {  	_ =	shalt  }
0x7f: {  	_ =	shalt  }
0x80: {  	_ =	shalt  }
0x81: {  	_ =	shalt  }
0x82: {  	_ =	shalt  }
0x83: {  	_ =	shalt  }
0x84: {  	_ =	shalt  }
0x85: {  	_ =	shalt  }
0x86: {  	_ =	shalt  }
0x87: {  	_ =	shalt  }
.Lfunc_end0:
.L_simem_size_0:
called_computation.1_lowered:
.L_overlay_start_0:
0x88: {  	s2 =	sld [smem:$0x3FD9]  }
0x89: {  	s3 =	sld [smem:$0x3FFE];
	_ =	sdelay $0x1  }
0x8a: {  	s1 =	srdreg.scid  }
0x8b: {  	s0 =	sand.u32 $0x1, s1  }
0x8c: {  	s17 =	sshll.u32 s0, $0xA;
	s2 =	sadd.s32 s3, s2  }
0x8d: {  	s2 =	sadd.s32 s2, s17  }
0x8e: {  	[smem:$0x3FC2] =	sst s2  }
0x8f: {  	_ = 	snop  }
0x90: {  	s2 =	sld [smem:$0x3FD0];
	(tm) =	ssettm $0x1  }
0x91: {  	s18 =	sld [smem:$0x3FFB];
	_ =	sdelay $0x3  }
0x92: {  	_ =	strace s18  }
0x93: {  	s3 =	sld [smem:$0x3FFC];
	_ =	sdelay $0x3  }
0x94: {  	_ =	strace s3  }
0x95: {  	s3 =	sld [smem:$0x3FFD];
	_ =	sdelay $0x3  }
0x96: {  	_ =	strace s3  }
0x97: {  	_ =	strace $0x8FFFFFFF  }
0x98: {  	s19 =	sld [smem:$0x3FDB];
	_ =	sdelay $0x1  }
0x99: {  	s4 =	simm.s32 $_scs_section_size  }
0x9a: {  	s5 =	simm.s32 $_size__tile_overlayer_lowered;
	s6 =	simm.s32 $_tile_overlayer_lowered  }
0x9b: {  	s22 =	simm.s32 $0x1BFF;
	s21 =	sshll.u32 s6, $0x1;
	s3 =	sadd.s32 s4, s19  }
0x9c: {  	s7 =	simm.s32 $0x0;
	s20 =	sshll.u32 s5, $0x1;
	s5 =	sadd.s32 s21, s3  }
0x9d: {  	[timem:s7], [sflag:s22] =	dma.local [hbm:s5], s20  }
0x9e: {  	_ =	swait.ge [sflag:s22], s20  }
0x9f: {  	s4 =	ssub.s32 $0x0, s20;
	[sflag:s22] =	ssyncset.done $0x0  }
0xa0: {  	[sflag:s22] =	ssyncadd.s32 s4;
	_ =	sdelay $0x1  }
0xa1: {  	s23 =	simm.s32 $0x1B8B  }
0xa2: {  	_ =	swait.ge [sflag:s23], $0x1  }
0xa3: {  	[sflag:s23] =	ssyncset.done $0x0  }
0xa4: {  	s25 =	simm.s32 $0x1B8E;
	s24 =	sld [smem:$0x3FFE];
	[sflag:s23] =	ssyncadd.s32 $0xFFFFFFFF  }
0xa5: {  	s26 =	simm.s32 $execute0_lowered;
	[smem:$0x3FD2] =	sst s25  }
0xa6: {  	s5 =	sshll.u32 s26, $0x1;
	_ =	strace $0x80000049;
	[dreg:$0x1] =	wrdreg $0xFFFFFFFF  }
0xa7: {  	s28 =	simm.s32 $_size_execute0_lowered;
	s3 =	sadd.s32 s3, s5;
	[dreg:$0x0] =	wrdreg $0x0  }
0xa8: {  	s5 =	sshll.u32 s28, $0x1;
	[dreg:$0x2] =	wrdreg s3  }
0xa9: {  	[dreg:$0x3] =	wrdreg s5  }
0xaa: {  	[dreg:$0x4] =	wrdreg $0xC0  }
0xab: {  	_ =	task [dreg:s7], $0x5FFFF  }
0xac: {  	[dreg:$0x1] =	wrdreg $0xFFFFFFFF  }
0xad: {  	[dreg:$0x0] =	wrdreg $0x60  }
0xae: {  	[dreg:$0x2] =	wrdreg s24  }
0xaf: {  	[dreg:$0x3] =	wrdreg s2  }
0xb0: {  	[dreg:$0x4] =	wrdreg $0xA9000  }
0xb1: {  	[dreg:$0x5] =	wrdreg $0x9  }
0xb2: {  	_ =	task.clear_ibuf [dreg:s7], $0x6FFFF;
	_ =	strace $0x90000049  }
0xb3: {  	s29 =	simm.s32 $0x9;
	_ =	strace $0x8000004B  }
0xb4: {  	_ =	swait.ge [sflag:s29], $0x1  }
0xb5: {  	[sflag:s29] =	ssyncadd.s32 $0xFFFFFFFF  }
0xb6: {  	_ =	strace $0x9000004B  }
0xb7: {  	_ =	sfence  }
0xb8: {  	s30 =	sld [smem:$0x0];
	_ =	sdelay $0x2  }
0xb9: {  	s31 =	sshll.u32 s1, $0xD;
	s1 =	sshrl.u32 s1, $0x2  }
0xba: {  	s3 =	sand.u32 $0x4000, s31;
	s1 =	sadd.s32 s1, s30  }
0xbb: {  	s0 =	sor.u32 s3, s0;
	s1 =	sshll.u32 s1, $0x11  }
0xbc: {  	s0 =	sor.u32 s1, s0  }
0xbd: {  	s0 =	sadd.s32 $0x8F2B, s0  }
0xbe: {  	[sflag:s0] =	ssyncadd.remote.s32 $0x1  }
0xbf: {  	_ =	sfence.sel $0xFFFF  }
0xc0: {  	[dreg:$0x0] =	wrdreg $0xFFFFFFFF;
	(pc) =	sbr.abs _section_cstart, $3  }
0xc1: {  	[dreg:$0x1] =	wrdreg $0xFFFFFFFF  }
0xc2: {  	_ =	task.clear_ibuf [dreg:s7], $0x2FFFF;
	_ =	strace $0x9FFFFFFF  }
0xc3: {  	(tm) =	ssettm $0x7FFFFFFF  }
tec
execute0_lowered:
.L_overlay_start_1:
0x0: {  	(tag) =	ssettag $0x1  }
0x1: {  	s0 =	rddreg [dreg:$0x0]  }
0x2: {  	s1 =	rddreg [dreg:$0x1]  }
0x3: {  	s2 =	rddreg [dreg:$0x2];
	s3 =	simm.s32 $0x0;
	s15 =	stileid.u32  }
0x4: {  	s4 =	srdreg.scid;
	s18 =	simm.s32 $0x2800;
	s19 =	simm.s32 $0x80  }
0x5: {  	s20 =	simm.s32 $0x2900;
	s21 =	simm.s32 $0x2880;
	s28 =	simm.s32 $0x4  }
0x6: {  	s29 =	simm.s32 $0x2;
	s30 =	simm.s32 $0x6;
	s5 =	smul.u32 $0x14000, s15  }
0x7: {  	[smem:$0x7FF] =	sst s3;
	s6 =	sand.u32 $0x1, s4;
	s10 =	smul.u32 $0x50000, s15  }
0x8: {  	s4 =	sadd.s32 $0x34000, s0;
	s14 =	sadd.s32 $0x2000, s0;
	s26 =	smul.u32 $0x2800, s15  }
0x9: {  	s16 =	sshll.u32 s15, $0x6;
	_ =	strace $0x8000004A;
	s7 =	smul.u32 $0x140000, s6  }
0xa: {  	s9 =	sshll.u32 s6, $0x4;
	s23 =	ssub.s32 $0x2, s6;
	s11 =	smul.u32 $0x28000, s6  }
0xb: {  	s16 =	sor.u32 $0x1C07, s16;
	s8 =	sshrl.u32 s5, $0x3;
	s22 =	sor.u32 s15, s9  }
0xc: {  	s24 =	sshrl.u32 s23, $0x1;
	s25 =	sshrl.u32 s10, $0x2;
	s15 =	simm.s32 $0x7  }
0xd: {  	s8 =	sadd.s32 s8, s0;
	s5 =	sadd.s32 s5, s7;
	s7 =	smul.u32 $0x2800, s22  }
0xe: {  	s9 =	ssub.s32 s23, s24;
	s31 =	sadd.s32 s26, s11;
	s22 =	simm.s32 $0x6900  }
0xf: {  	s23 =	simm.s32 $0x3;
	s24 =	simm.s32 $0x1;
	s5 =	sshrl.u32 s5, $0x3  }
0x10: {  	s6 =	sadd.s32 $0xC000, s8;
	s9 =	smax.u32 s9, $0x1;
	s13 =	sor.u32 $0x180, s31  }
0x11: {  	s0 =	sadd.s32 s5, s0;
	s7 =	sshrl.u32 s7, $0x3;
	s13 =	sshrl.u32 s13, $0x3  }
0x12: {  	s1 =	sadd.s32 s1, s7;
	s7 =	sadd.s32 s14, s7;
	s8 =	sadd.s32 $0x5C000, s0  }
0x13: {  	s0 =	sor.u32 $0x200, s31;
	s13 =	sadd.s32 s13, s14;
	[dreg:$0x4] =	wrdreg s1  }
0x14: {  	s1 =	sadd.s32 s25, s2;
	s10 =	sadd.s32 $0x10, s7;
	s11 =	sadd.s32 $0x20, s7  }
0x15: {  	s12 =	sadd.s32 $0x4F0, s7;
	s0 =	sshrl.u32 s0, $0x3;
	s25 =	simm.s32 $0x5  }
0x16: {  	s14 =	sadd.s32 s0, s14;
	s17 =	sshrl.u32 s1, $0x3;
	s0 =	simm.s32 $0x0  }
.LBB2_1:
0x17: {  	s1 =	rddreg [dreg:$0x4]  }
0x18: {  	[tilespmem:s3], [sflag:$0x7] =	stream.linear.gather [hbm4b:s1+s3], $0x2800, $0x38;
	[tilespmem:$0x1E900] =	vst v63  }
0x19: {  	_ =	swait.ge [sflag:s15], $0x2800  }
0x1a: {  	[sflag:s15] =	ssyncset.done $0x0  }
0x1b: {  	[sflag:s15] =	ssyncadd.s32 $0xFFFFD800  }
0x1c: {  	[spmem:s17], [sflag:s16] =	dma.local [hbm:s6], $0x2800  }
0x1d: {  	_ =	swait.ge [sflag:s15], $0x2800  }
0x1e: {  	[sflag:s15] =	ssyncset.done $0x0  }
0x1f: {  	[sflag:s15] =	ssyncadd.s32 $0xFFFFD800  }
0x20: {  	[tilespmem:s18], [sflag:$0x1] =	stream.linear.gather [hbm4b:s7+s3], $0x80, $0x38;
	[tilespmem:$0x1E900] =	vst v63  }
0x21: {  	_ = 	snop  }
0x22: {  	[tilespmem:s20], [sflag:$0x3] =	stream.indirect.gather [hbm4b:s4+s19], $0x80, s3, s19, $0xb8;
	[tilespmem:$0x1E900] =	vst v63  }
0x23: {  	[bflag:$0x0] =	sbarrier.arrive $0xFFFF  }
0x24: {  	[tilespmem:s21], [sflag:$0x2] =	stream.linear.gather [hbm4b:s10+s3], $0x80, $0x38;
	[tilespmem:$0x1E900] =	vst v63  }
0x25: {  	_ = 	snop  }
0x26: {  	[tilespmem:s22], [sflag:$0x4] =	stream.indirect.gather [hbm4b:s4+s19], $0x80, s19, s19, $0xb8;
	[tilespmem:$0x1E900] =	vst v63  }
0x27: {  	_ =	swait.ge [sflag:s23], $0x4000  }
0x28: {  	[sflag:s23] =	ssyncset.done $0x0  }
0x29: {  	[sflag:s23] =	ssyncadd.s32 $0xFFFFC000  }
0x2a: {  	_ =	swait.ge [sflag:s24], $0x80  }
0x2b: {  	[sflag:s24] =	ssyncset.done $0x0  }
0x2c: {  	[sflag:s24] =	ssyncadd.s32 $0xFFFFFF80  }
0x2d: {  	[spmem:s2] =	stream.indirect.scatter.add.f32 [tilespmem:s20], [sflag:$0x5], $0x80, s18, s19, $0xb8;
	[tilespmem:$0x1E900] =	vst v63  }
0x2e: {  	_ =	swait.ge [sflag:s25], $0x4000  }
0x2f: {  	[sflag:s25] =	ssyncset.done $0x0  }
0x30: {  	[sflag:s25] =	ssyncadd.s32 $0xFFFFC000  }
0x31: {  	[tilespmem:s18], [sflag:$0x1] =	stream.linear.gather [hbm4b:s11+s3], $0x80, $0x38;
	[tilespmem:$0x1E900] =	vst v63  }
0x32: {  	s26 =	simm.s32 $0x100  }
0x33: {  	[tilespmem:s20], [sflag:$0x3] =	stream.indirect.gather [hbm4b:s4+s19], $0x80, s26, s19, $0xb8;
	[tilespmem:$0x1E900] =	vst v63  }
0x34: {  	_ =	swait.ge [sflag:s28], $0x4000  }
0x35: {  	[sflag:s28] =	ssyncset.done $0x0  }
0x36: {  	[sflag:s28] =	ssyncadd.s32 $0xFFFFC000  }
0x37: {  	_ =	swait.ge [sflag:s29], $0x80  }
0x38: {  	[sflag:s29] =	ssyncset.done $0x0  }
0x39: {  	[sflag:s29] =	ssyncadd.s32 $0xFFFFFF80  }
0x3a: {  	[spmem:s2] =	stream.indirect.scatter.add.f32 [tilespmem:s22], [sflag:$0x6], $0x80, s21, s19, $0xb8;
	[tilespmem:$0x1E900] =	vst v63  }
0x3b: {  	_ =	swait.ge [sflag:s30], $0x4000  }
0x3c: {  	[sflag:s30] =	ssyncset.done $0x0  }
0x3d: {  	s31 =	sadd.s32 $0x0, s13;
	[sflag:s30] =	ssyncadd.s32 $0xFFFFC000  }
0x3e: {  	[tilespmem:s21], [sflag:$0x2] =	stream.linear.gather [hbm4b:s31+s3], $0x80, $0x38;
	[tilespmem:$0x1E900] =	vst v63  }
0x3f: {  	s5 =	simm.s32 $0x180  }
0x40: {  	[tilespmem:s22], [sflag:$0x4] =	stream.indirect.gather [hbm4b:s4+s19], $0x80, s5, s19, $0xb8;
	[tilespmem:$0x1E900] =	vst v63  }
0x41: {  	_ =	swait.ge [sflag:s23], $0x4000  }
0x42: {  	[sflag:s23] =	ssyncset.done $0x0  }
0x43: {  	[sflag:s23] =	ssyncadd.s32 $0xFFFFC000  }
0x44: {  	_ =	swait.ge [sflag:s24], $0x80  }
0x45: {  	[sflag:s24] =	ssyncset.done $0x0  }
0x46: {  	[sflag:s24] =	ssyncadd.s32 $0xFFFFFF80  }
0x47: {  	[spmem:s2] =	stream.indirect.scatter.add.f32 [tilespmem:s20], [sflag:$0x5], $0x80, s18, s19, $0xb8;
	[tilespmem:$0x1E900] =	vst v63  }
0x48: {  	_ =	swait.ge [sflag:s25], $0x4000  }
0x49: {  	[sflag:s25] =	ssyncset.done $0x0  }
0x4a: {  	s26 =	sadd.s32 $0x0, s14;
	[sflag:s25] =	ssyncadd.s32 $0xFFFFC000  }
0x4b: {  	[tilespmem:s18], [sflag:$0x1] =	stream.linear.gather [hbm4b:s26+s3], $0x80, $0x38;
	[tilespmem:$0x1E900] =	vst v63  }
0x4c: {  	s31 =	simm.s32 $0x200  }
0x4d: {  	[tilespmem:s20], [sflag:$0x3] =	stream.indirect.gather [hbm4b:s4+s19], $0x80, s31, s19, $0xb8;
	[tilespmem:$0x1E900] =	vst v63  }
0x4e: {  	_ =	swait.ge [sflag:s28], $0x4000  }
0x4f: {  	[sflag:s28] =	ssyncset.done $0x0  }
0x50: {  	[sflag:s28] =	ssyncadd.s32 $0xFFFFC000  }
0x51: {  	_ =	swait.ge [sflag:s29], $0x80  }
0x52: {  	[sflag:s29] =	ssyncset.done $0x0  }
0x53: {  	s1 =	simm.s32 $0x20;
	s26 =	simm.s32 $0x280;
	[sflag:s29] =	ssyncadd.s32 $0xFFFFFF80  }
.LBB2_2:
0x54: {  	[spmem:s2] =	stream.indirect.scatter.add.f32 [tilespmem:s22], [sflag:$0x6], $0x80, s21, s19, $0xb8;
	[tilespmem:$0x1E900] =	vst v63  }
0x55: {  	s31 =	smov.u32 s1  }
0x56: {  	p0 =	sne.s32 s1, $0x4A0;
	s1 =	sadd.s32 $0x20, s1;
	_ =	swait.ge [sflag:s30], $0x4000  }
0x57: {  	[sflag:s30] =	ssyncset.done $0x0  }
0x58: {  	s5 =	sadd.s32 s31, s13;
	[sflag:s30] =	ssyncadd.s32 $0xFFFFC000  }
0x59: {  	[tilespmem:s21], [sflag:$0x2] =	stream.linear.gather [hbm4b:s5+s3], $0x80, $0x38;
	[tilespmem:$0x1E900] =	vst v63  }
0x5a: {  	_ = 	snop  }
0x5b: {  	[tilespmem:s22], [sflag:$0x4] =	stream.indirect.gather [hbm4b:s4+s19], $0x80, s26, s19, $0xb8;
	[tilespmem:$0x1E900] =	vst v63  }
0x5c: {  	_ =	swait.ge [sflag:s23], $0x4000  }
0x5d: {  	[sflag:s23] =	ssyncset.done $0x0  }
0x5e: {  	[sflag:s23] =	ssyncadd.s32 $0xFFFFC000  }
0x5f: {  	_ =	swait.ge [sflag:s24], $0x80  }
0x60: {  	[sflag:s24] =	ssyncset.done $0x0  }
0x61: {  	[sflag:s24] =	ssyncadd.s32 $0xFFFFFF80  }
0x62: {  	[spmem:s2] =	stream.indirect.scatter.add.f32 [tilespmem:s20], [sflag:$0x5], $0x80, s18, s19, $0xb8;
	[tilespmem:$0x1E900] =	vst v63  }
0x63: {  	_ =	swait.ge [sflag:s25], $0x4000  }
0x64: {  	[sflag:s25] =	ssyncset.done $0x0  }
0x65: {  	s5 =	sadd.s32 s31, s14;
	[sflag:s25] =	ssyncadd.s32 $0xFFFFC000  }
0x66: {  	[tilespmem:s18], [sflag:$0x1] =	stream.linear.gather [hbm4b:s5+s3], $0x80, $0x38;
	[tilespmem:$0x1E900] =	vst v63  }
0x67: {  	s5 =	sadd.s32 $0x80, s26  }
0x68: {  	[tilespmem:s20], [sflag:$0x3] =	stream.indirect.gather [hbm4b:s4+s19], $0x80, s5, s19, $0xb8;
	[tilespmem:$0x1E900] =	vst v63  }
0x69: {  	_ =	swait.ge [sflag:s28], $0x4000  }
.Ltmp0:
0x6a: {  	[sflag:s28] =	ssyncset.done $0x0;
	(pc) =	sbr.rel @p0 .LBB2_2-.Ltmp0, $4  }
0x6b: {  	[sflag:s28] =	ssyncadd.s32 $0xFFFFC000  }
0x6c: {  	_ =	swait.ge [sflag:s29], $0x80  }
0x6d: {  	[sflag:s29] =	ssyncset.done $0x0  }
0x6e: {  	s26 =	sadd.s32 $0x100, s26;
	[sflag:s29] =	ssyncadd.s32 $0xFFFFFF80  }
0x6f: {  	[spmem:s2] =	stream.indirect.scatter.add.f32 [tilespmem:s22], [sflag:$0x6], $0x80, s21, s19, $0xb8;
	[tilespmem:$0x1E900] =	vst v63  }
0x70: {  	_ =	swait.ge [sflag:s30], $0x4000  }
0x71: {  	[sflag:s30] =	ssyncset.done $0x0  }
0x72: {  	[sflag:s30] =	ssyncadd.s32 $0xFFFFC000  }
0x73: {  	[tilespmem:s21], [sflag:$0x2] =	stream.linear.gather [hbm4b:s12+s3], $0x80, $0x38;
	[tilespmem:$0x1E900] =	vst v63  }
0x74: {  	s1 =	simm.s32 $0x2780  }
0x75: {  	[tilespmem:s22], [sflag:$0x4] =	stream.indirect.gather [hbm4b:s4+s19], $0x80, s1, s19, $0xb8;
	[tilespmem:$0x1E900] =	vst v63  }
0x76: {  	_ =	swait.ge [sflag:s23], $0x4000  }
0x77: {  	[sflag:s23] =	ssyncset.done $0x0  }
0x78: {  	[sflag:s23] =	ssyncadd.s32 $0xFFFFC000  }
0x79: {  	_ =	swait.ge [sflag:s24], $0x80  }
0x7a: {  	[sflag:s24] =	ssyncset.done $0x0  }
0x7b: {  	[sflag:s24] =	ssyncadd.s32 $0xFFFFFF80  }
0x7c: {  	[spmem:s2] =	stream.indirect.scatter.add.f32 [tilespmem:s20], [sflag:$0x5], $0x80, s18, s19, $0xb8;
	[tilespmem:$0x1E900] =	vst v63  }
0x7d: {  	_ =	swait.ge [sflag:s28], $0x4000  }
0x7e: {  	[sflag:s28] =	ssyncset.done $0x0  }
0x7f: {  	[sflag:s28] =	ssyncadd.s32 $0xFFFFC000  }
0x80: {  	_ =	swait.ge [sflag:s29], $0x80  }
0x81: {  	[sflag:s29] =	ssyncset.done $0x0  }
0x82: {  	[sflag:s29] =	ssyncadd.s32 $0xFFFFFF80  }
0x83: {  	[spmem:s2] =	stream.indirect.scatter.add.f32 [tilespmem:s22], [sflag:$0x6], $0x80, s21, s19, $0xb8;
	[tilespmem:$0x1E900] =	vst v63  }
0x84: {  	_ =	swait.ge [sflag:s25], $0x4000  }
0x85: {  	[sflag:s25] =	ssyncset.done $0x0  }
0x86: {  	[sflag:s25] =	ssyncadd.s32 $0xFFFFC000  }
0x87: {  	_ =	swait.ge [sflag:s30], $0x4000  }
0x88: {  	s0 =	sadd.s32 $0x1, s0;
	[sflag:s30] =	ssyncset.done $0x0  }
0x89: {  	p0 =	sne.s32 s0, s9;
	[sflag:s30] =	ssyncadd.s32 $0xFFFFC000  }
.Ltmp1:
0x8a: {  	[bflag:$0x0] =	sbarrier.arrive $0xFFFF;
	(pc) =	sbr.rel @p0 .LBB2_1-.Ltmp1, $4  }
0x8b: {  	[hbm:s8], [sflag:s16] =	dma.local [spmem:s17], $0x2800  }
0x8c: {  	_ =	swait.ge [sflag:s15], $0x2800  }
0x8d: {  	[sflag:s15] =	ssyncset.done $0x0  }
0x8e: {  	[sflag:s15] =	ssyncadd.s32 $0xFFFFD800  }
0x8f: {  	_ =	sfence.sel $0x180000  }
0x90: {  	[bflag:$0x0] =	sbarrier.arrive $0xFFFF  }
0x91: {  	_ =	strace $0x9000004A  }
0x92: {  	s0 =	stileid.u32;
	[bflag:$0x2] =	sbarrier.arrive $0xFFFF  }
0x93: {  	p0 =	sne.s32 s0, $0x0;
	s0 =	rddreg [dreg:$0x3]  }
0x94: {  	s0 =	sadd.s32 @!p0 $0x100000, s0  }
0x95: {  	[sflag:s0] =	ssyncadd.tile.s32 @!p0 $0x1;
	_ =	shalt  }
.Lfunc_end2:
_tile_overlayer_lowered:
.L_overlay_start_2:
0x96: {  	(tag) =	ssettag $0x2  }
0x97: {  	s0 =	rddreg [dreg:$0x0];
	s2 =	stileid.u32  }
0x98: {  	s1 =	rddreg [dreg:$0x1];
	p0 =	sne.s32 s2, $0x0  }
0x99: {  	s3 =	rddreg [dreg:$0x2];
	[bflag:$0x3] =	sbarrier.arrive $0xFFFF;
	s2 =	simm.s32 @!p0 $0x1C07  }
0x9a: {  	[timem:s3], [sflag:s2] =	dma.local @!p0 [hbm:s0], s1  }
0x9b: {  	s0 =	simm.s32 @!p0 $0x7  }
0x9c: {  	_ =	swait.ge @!p0 [sflag:s0], s1  }
0x9d: {  	s1 =	ssub.s32 @!p0 $0x0, s1;
	[sflag:s0] =	ssyncset.done @!p0 $0x0  }
0x9e: {  	[sflag:s0] =	ssyncadd.s32 @!p0 s1  }
0x9f: {  	[bflag:$0x3] =	sbarrier.arrive $0xFFFF  }
0xa0: {  	_ =	shalt  }

// kernel: kernel.14.cloned.1.call-start
scs
__scs_entry_jumppad:
0x0: {  	(pc) =	sbr.rel $0x88, $3  }
0x1: {  	(tag) =	ssettag $0x0;
	lr =	simm.s32 $0x1  }
0x2: {  	[smem:$0x3F9B] =	sst lr;
	_ =	strace $0xD0000000  }
0x3: {  	_ = 	snop  }
0x4: {  	_ = 	snop  }
0x5: {  	_ = 	snop  }
0x6: {  	_ = 	snop  }
0x7: {  	_ = 	snop  }
__scs_overlays_trampoline_lowered:
0x8: {  	[smem:$0x3FAA] =	sst s0  }
0x9: {  	[smem:$0x3FAB] =	sst s1  }
0xa: {  	[smem:$0x3FAC] =	sst s2  }
0xb: {  	[smem:$0x3FAD] =	sst s3  }
0xc: {  	[smem:$0x3FAE] =	sst s4  }
0xd: {  	[smem:$0x3FAF] =	sst s5  }
0xe: {  	[smem:$0x3FB0] =	sst s6  }
0xf: {  	[smem:$0x3FB1] =	sst s7  }
0x10: {  	[smem:$0x3FB2] =	sst s8  }
0x11: {  	[smem:$0x3FB3] =	sst s9;
	s0 =	simm.s32 @!p0 $0x0  }
0x12: {  	s1 =	sld [smem:$0x3F99];
	s0 =	simm.s32 @p0 $0x1  }
0x13: {  	[smem:$0x3FB4] =	sst s0;
	s0 =	simm.s32 @!p1 $0x0  }
0x14: {  	s2 =	sld [smem:$0x3F98];
	s0 =	simm.s32 @p1 $0x1  }
0x15: {  	[smem:$0x3FB5] =	sst s0;
	s0 =	simm.s32 @!p2 $0x0  }
0x16: {  	s3 =	sld [smem:$0x3FDB];
	s0 =	simm.s32 @p2 $0x1  }
0x17: {  	s4 =	simm.s32 $0x1BF5;
	[smem:$0x3FB7] =	sst s0  }
0x18: {  	s0 =	sld [smem:$0x3F9A];
	_ =	swait.ge [sflag:s4], $0x0  }
0x19: {  	s7 =	sld [smem:$0x3F9B]  }
0x1a: {  	s8 =	sadd.s32 $0xFFFFE003, lr  }
0x1b: {  	s9 =	sadd.s32 $0xFFFFFEF7, lr;
	s5 =	simm.s32 $0xFFFFFFFF;
	p2 =	slt.u32 s8, $0xFFFFF086  }
0x1c: {  	p1 =	slt.u32 s9, $0xF7A;
	s5 =	simm.s32 @!p2 $0x0  }
0x1d: {  	s5 =	simm.s32 @p1 $0x1;
	p0 =	seq.s32 s7, s2  }
0x1e: {  	s7 =	smul.u32 @!p0 $0xF7A, s2;
	p2 =	seq.s32 @!p0 s5, $0x0  }
0x1f: {  	s9 =	smul.u32 $0xF7A, s1;
	s8 =	simm.s32 @!p0 $0x1BF5;
	p2 =	por !p2, p0  }
0x20: {  	[sflag:s8] =	ssyncset.s32 @!p0 $0xFFFFF086;
	s6 =	sadd.s32 @!p0 s3, s7;
	s7 =	simm.s32 @!p0 $0x108  }
0x21: {  	s3 =	sadd.s32 s3, s9;
	s6 =	sadd.s32 @!p0 $0x88, s6;
	s7 =	simm.s32 @p2 $0x1082  }
0x22: {  	[simem:s7], [sflag:s8] =	dma.local @!p0 [hbm:s6], $0xF7A  }
0x23: {  	s9 =	sor.u32 $0xD0000000, s2;
	s6 =	simm.s32 $0x108;
	_ =	swait.ge @!p0 [sflag:s8], $0x0  }
0x24: {  	s3 =	sadd.s32 $0x88, s3;
	s6 =	simm.s32 @!p1 $0x1082;
	[sflag:s4] =	ssyncset.s32 $0xFFFFF086  }
0x25: {  	[simem:s6], [sflag:s4] =	dma.local [hbm:s3], $0xF7A  }
0x26: {  	[smem:$0x3F9B] =	sst s1;
	(tag) =	ssettag s2;
	_ =	strace s9  }
0x27: {  	s1 =	sld [smem:$0x3FAB]  }
0x28: {  	s2 =	sld [smem:$0x3FAC]  }
0x29: {  	s4 =	sld [smem:$0x3FAE]  }
0x2a: {  	p0 =	seq.s32 s5, $0x0;
	s5 =	sld [smem:$0x3FAF]  }
0x2b: {  	s6 =	sld [smem:$0x3FB0]  }
0x2c: {  	s7 =	sld [smem:$0x3FB1]  }
0x2d: {  	s3 =	simm.s32 $0x108;
	s8 =	sld [smem:$0x3FB2]  }
0x2e: {  	s3 =	simm.s32 @!p0 $0x1082;
	s9 =	sld [smem:$0x3FB3]  }
0x2f: {  	lr =	sadd.s32 s0, s3;
	s0 =	sld [smem:$0x3FAA]  }
0x30: {  	s3 =	sld [smem:$0x3FAD]  }
0x31: {  	[smem:$0x3FB6] =	sst s10  }
0x32: {  	s10 =	sld [smem:$0x3FB4];
	_ =	sdelay $0x3  }
0x33: {  	p0 =	seq.s32 s10, $0x1;
	s10 =	sld [smem:$0x3FB6];
	_ =	sdelay $0x3  }
0x34: {  	[smem:$0x3FB6] =	sst s10  }
0x35: {  	s10 =	sld [smem:$0x3FB5];
	_ =	sdelay $0x3  }
0x36: {  	p1 =	seq.s32 s10, $0x1;
	s10 =	sld [smem:$0x3FB6];
	_ =	sdelay $0x3  }
0x37: {  	[smem:$0x3FB6] =	sst s10  }
0x38: {  	s10 =	sld [smem:$0x3FB7]  }
0x39: {  	_ = 	snop;
	(pc) =	sbr.ind lr, $3  }
0x3a: {  	_ = 	snop  }
0x3b: {  	_ = 	snop  }
0x3c: {  	p2 =	seq.s32 s10, $0x1;
	s10 =	sld [smem:$0x3FB6]  }
0x3d: {  	_ =	shalt  }
0x3e: {  	_ =	shalt  }
0x3f: {  	_ =	shalt  }
0x40: {  	_ =	shalt  }
0x41: {  	_ =	shalt  }
0x42: {  	_ =	shalt  }
0x43: {  	_ =	shalt  }
0x44: {  	_ =	shalt  }
0x45: {  	_ =	shalt  }
0x46: {  	_ =	shalt  }
0x47: {  	_ =	shalt  }
0x48: {  	_ =	shalt  }
0x49: {  	_ =	shalt  }
0x4a: {  	_ =	shalt  }
0x4b: {  	_ =	shalt  }
0x4c: {  	_ =	shalt  }
0x4d: {  	_ =	shalt  }
0x4e: {  	_ =	shalt  }
0x4f: {  	_ =	shalt  }
0x50: {  	_ =	shalt  }
0x51: {  	_ =	shalt  }
0x52: {  	_ =	shalt  }
0x53: {  	_ =	shalt  }
0x54: {  	_ =	shalt  }
0x55: {  	_ =	shalt  }
0x56: {  	_ =	shalt  }
0x57: {  	_ =	shalt  }
0x58: {  	_ =	shalt  }
0x59: {  	_ =	shalt  }
0x5a: {  	_ =	shalt  }
0x5b: {  	_ =	shalt  }
0x5c: {  	_ =	shalt  }
0x5d: {  	_ =	shalt  }
0x5e: {  	_ =	shalt  }
0x5f: {  	_ =	shalt  }
0x60: {  	_ =	shalt  }
0x61: {  	_ =	shalt  }
0x62: {  	_ =	shalt  }
0x63: {  	_ =	shalt  }
0x64: {  	_ =	shalt  }
0x65: {  	_ =	shalt  }
0x66: {  	_ =	shalt  }
0x67: {  	_ =	shalt  }
0x68: {  	_ =	shalt  }
0x69: {  	_ =	shalt  }
0x6a: {  	_ =	shalt  }
0x6b: {  	_ =	shalt  }
0x6c: {  	_ =	shalt  }
0x6d: {  	_ =	shalt  }
0x6e: {  	_ =	shalt  }
0x6f: {  	_ =	shalt  }
0x70: {  	_ =	shalt  }
0x71: {  	_ =	shalt  }
0x72: {  	_ =	shalt  }
0x73: {  	_ =	shalt  }
0x74: {  	_ =	shalt  }
0x75: {  	_ =	shalt  }
0x76: {  	_ =	shalt  }
0x77: {  	_ =	shalt  }
0x78: {  	_ =	shalt  }
0x79: {  	_ =	shalt  }
0x7a: {  	_ =	shalt  }
0x7b: {  	_ =	shalt  }
0x7c: {  	_ =	shalt  }
0x7d: {  	_ =	shalt  }
0x7e: {  	_ =	shalt  }
0x7f: {  	_ =	shalt  }
0x80: {  	_ =	shalt  }
0x81: {  	_ =	shalt  }
0x82: {  	_ =	shalt  }
0x83: {  	_ =	shalt  }
0x84: {  	_ =	shalt  }
0x85: {  	_ =	shalt  }
0x86: {  	_ =	shalt  }
0x87: {  	_ =	shalt  }
.Lfunc_end0:
.L_simem_size_0:
called_computation.2_lowered:
.L_overlay_start_0:
0x88: {  	s2 =	sld [smem:$0x3FD9]  }
0x89: {  	s3 =	sld [smem:$0x3FFE];
	_ =	sdelay $0x1  }
0x8a: {  	s1 =	srdreg.scid  }
0x8b: {  	s0 =	sand.u32 $0x1, s1  }
0x8c: {  	s17 =	sshll.u32 s0, $0xA;
	s2 =	sadd.s32 s3, s2  }
0x8d: {  	s2 =	sadd.s32 s2, s17  }
0x8e: {  	[smem:$0x3FC2] =	sst s2  }
0x8f: {  	_ = 	snop  }
0x90: {  	s2 =	sld [smem:$0x3FD0];
	(tm) =	ssettm $0x1  }
0x91: {  	s18 =	sld [smem:$0x3FFB];
	_ =	sdelay $0x3  }
0x92: {  	_ =	strace s18  }
0x93: {  	s3 =	sld [smem:$0x3FFC];
	_ =	sdelay $0x3  }
0x94: {  	_ =	strace s3  }
0x95: {  	s3 =	sld [smem:$0x3FFD];
	_ =	sdelay $0x3  }
0x96: {  	_ =	strace s3  }
0x97: {  	_ =	strace $0x8FFFFFFF  }
0x98: {  	s19 =	sld [smem:$0x3FDB];
	_ =	sdelay $0x1  }
0x99: {  	s4 =	simm.s32 $_scs_section_size  }
0x9a: {  	s5 =	simm.s32 $_size__tile_overlayer_lowered;
	s6 =	simm.s32 $_tile_overlayer_lowered  }
0x9b: {  	s22 =	simm.s32 $0x1BFF;
	s21 =	sshll.u32 s6, $0x1;
	s3 =	sadd.s32 s4, s19  }
0x9c: {  	s7 =	simm.s32 $0x0;
	s20 =	sshll.u32 s5, $0x1;
	s5 =	sadd.s32 s21, s3  }
0x9d: {  	[timem:s7], [sflag:s22] =	dma.local [hbm:s5], s20  }
0x9e: {  	_ =	swait.ge [sflag:s22], s20  }
0x9f: {  	s4 =	ssub.s32 $0x0, s20;
	[sflag:s22] =	ssyncset.done $0x0  }
0xa0: {  	[sflag:s22] =	ssyncadd.s32 s4;
	_ =	sdelay $0x1  }
0xa1: {  	s23 =	simm.s32 $0x1B8B  }
0xa2: {  	_ =	swait.ge [sflag:s23], $0x1  }
0xa3: {  	[sflag:s23] =	ssyncset.done $0x0  }
0xa4: {  	s25 =	simm.s32 $0x1B8E;
	s24 =	sld [smem:$0x3FFE];
	[sflag:s23] =	ssyncadd.s32 $0xFFFFFFFF  }
0xa5: {  	s26 =	simm.s32 $execute0_lowered;
	[smem:$0x3FD2] =	sst s25  }
0xa6: {  	s5 =	sshll.u32 s26, $0x1;
	_ =	strace $0x8000004C;
	[dreg:$0x1] =	wrdreg $0xFFFFFFFF  }
0xa7: {  	s28 =	simm.s32 $_size_execute0_lowered;
	s3 =	sadd.s32 s3, s5;
	[dreg:$0x0] =	wrdreg $0x0  }
0xa8: {  	s5 =	sshll.u32 s28, $0x1;
	[dreg:$0x2] =	wrdreg s3  }
0xa9: {  	[dreg:$0x3] =	wrdreg s5  }
0xaa: {  	[dreg:$0x4] =	wrdreg $0xC0  }
0xab: {  	_ =	task [dreg:s7], $0x5FFFF  }
0xac: {  	[dreg:$0x1] =	wrdreg $0xFFFFFFFF  }
0xad: {  	[dreg:$0x0] =	wrdreg $0x60  }
0xae: {  	[dreg:$0x2] =	wrdreg s24  }
0xaf: {  	[dreg:$0x3] =	wrdreg s2  }
0xb0: {  	[dreg:$0x4] =	wrdreg $0xA9000  }
0xb1: {  	[dreg:$0x5] =	wrdreg $0x9  }
0xb2: {  	_ =	task.clear_ibuf [dreg:s7], $0x6FFFF;
	_ =	strace $0x9000004C  }
0xb3: {  	s29 =	simm.s32 $0x9;
	_ =	strace $0x8000004E  }
0xb4: {  	_ =	swait.ge [sflag:s29], $0x1  }
0xb5: {  	[sflag:s29] =	ssyncadd.s32 $0xFFFFFFFF  }
0xb6: {  	_ =	strace $0x9000004E  }
0xb7: {  	_ =	sfence  }
0xb8: {  	s30 =	sld [smem:$0x0];
	_ =	sdelay $0x2  }
0xb9: {  	s31 =	sshll.u32 s1, $0xD;
	s1 =	sshrl.u32 s1, $0x2  }
0xba: {  	s3 =	sand.u32 $0x4000, s31;
	s1 =	sadd.s32 s1, s30  }
0xbb: {  	s0 =	sor.u32 s3, s0;
	s1 =	sshll.u32 s1, $0x11  }
0xbc: {  	s0 =	sor.u32 s1, s0  }
0xbd: {  	s0 =	sadd.s32 $0x8F2B, s0  }
0xbe: {  	[sflag:s0] =	ssyncadd.remote.s32 $0x1  }
0xbf: {  	_ =	sfence.sel $0xFFFF  }
0xc0: {  	[dreg:$0x0] =	wrdreg $0xFFFFFFFF;
	(pc) =	sbr.abs _section_cstart, $3  }
0xc1: {  	[dreg:$0x1] =	wrdreg $0xFFFFFFFF  }
0xc2: {  	_ =	task.clear_ibuf [dreg:s7], $0x2FFFF;
	_ =	strace $0x9FFFFFFF  }
0xc3: {  	(tm) =	ssettm $0x7FFFFFFF  }
tec
execute0_lowered:
.L_overlay_start_1:
0x0: {  	(tag) =	ssettag $0x1  }
0x1: {  	s0 =	rddreg [dreg:$0x0]  }
0x2: {  	s1 =	rddreg [dreg:$0x1]  }
0x3: {  	s2 =	rddreg [dreg:$0x2];
	s3 =	simm.s32 $0x0;
	s15 =	stileid.u32  }
0x4: {  	s4 =	srdreg.scid;
	s18 =	simm.s32 $0x2800;
	s19 =	simm.s32 $0x80  }
0x5: {  	s20 =	simm.s32 $0x2900;
	s21 =	simm.s32 $0x2880;
	s28 =	simm.s32 $0x4  }
0x6: {  	s29 =	simm.s32 $0x2;
	s30 =	simm.s32 $0x6;
	s5 =	smul.u32 $0x14000, s15  }
0x7: {  	[smem:$0x7FF] =	sst s3;
	s6 =	sand.u32 $0x1, s4;
	s10 =	smul.u32 $0x50000, s15  }
0x8: {  	s4 =	sadd.s32 $0x34000, s0;
	s14 =	sadd.s32 $0x2000, s0;
	s26 =	smul.u32 $0x2800, s15  }
0x9: {  	s16 =	sshll.u32 s15, $0x6;
	_ =	strace $0x8000004D;
	s7 =	smul.u32 $0x140000, s6  }
0xa: {  	s9 =	sshll.u32 s6, $0x4;
	s23 =	ssub.s32 $0x2, s6;
	s11 =	smul.u32 $0x28000, s6  }
0xb: {  	s16 =	sor.u32 $0x1C07, s16;
	s8 =	sshrl.u32 s5, $0x3;
	s22 =	sor.u32 s15, s9  }
0xc: {  	s24 =	sshrl.u32 s23, $0x1;
	s25 =	sshrl.u32 s10, $0x2;
	s15 =	simm.s32 $0x7  }
0xd: {  	s8 =	sadd.s32 s8, s0;
	s5 =	sadd.s32 s5, s7;
	s7 =	smul.u32 $0x2800, s22  }
0xe: {  	s9 =	ssub.s32 s23, s24;
	s31 =	sadd.s32 s26, s11;
	s22 =	simm.s32 $0x6900  }
0xf: {  	s23 =	simm.s32 $0x3;
	s24 =	simm.s32 $0x1;
	s5 =	sshrl.u32 s5, $0x3  }
0x10: {  	s6 =	sadd.s32 $0xC000, s8;
	s9 =	smax.u32 s9, $0x1;
	s13 =	sor.u32 $0x180, s31  }
0x11: {  	s0 =	sadd.s32 s5, s0;
	s7 =	sshrl.u32 s7, $0x3;
	s13 =	sshrl.u32 s13, $0x3  }
0x12: {  	s1 =	sadd.s32 s1, s7;
	s7 =	sadd.s32 s14, s7;
	s8 =	sadd.s32 $0x5C000, s0  }
0x13: {  	s0 =	sor.u32 $0x200, s31;
	s13 =	sadd.s32 s13, s14;
	[dreg:$0x4] =	wrdreg s1  }
0x14: {  	s1 =	sadd.s32 s25, s2;
	s10 =	sadd.s32 $0x10, s7;
	s11 =	sadd.s32 $0x20, s7  }
0x15: {  	s12 =	sadd.s32 $0x4F0, s7;
	s0 =	sshrl.u32 s0, $0x3;
	s25 =	simm.s32 $0x5  }
0x16: {  	s14 =	sadd.s32 s0, s14;
	s17 =	sshrl.u32 s1, $0x3;
	s0 =	simm.s32 $0x0  }
.LBB2_1:
0x17: {  	s1 =	rddreg [dreg:$0x4]  }
0x18: {  	[tilespmem:s3], [sflag:$0x7] =	stream.linear.gather [hbm4b:s1+s3], $0x2800, $0x38;
	[tilespmem:$0x1E900] =	vst v63  }
0x19: {  	_ =	swait.ge [sflag:s15], $0x2800  }
0x1a: {  	[sflag:s15] =	ssyncset.done $0x0  }
0x1b: {  	[sflag:s15] =	ssyncadd.s32 $0xFFFFD800  }
0x1c: {  	[spmem:s17], [sflag:s16] =	dma.local [hbm:s6], $0x2800  }
0x1d: {  	_ =	swait.ge [sflag:s15], $0x2800  }
0x1e: {  	[sflag:s15] =	ssyncset.done $0x0  }
0x1f: {  	[sflag:s15] =	ssyncadd.s32 $0xFFFFD800  }
0x20: {  	[tilespmem:s18], [sflag:$0x1] =	stream.linear.gather [hbm4b:s7+s3], $0x80, $0x38;
	[tilespmem:$0x1E900] =	vst v63  }
0x21: {  	_ = 	snop  }
0x22: {  	[tilespmem:s20], [sflag:$0x3] =	stream.indirect.gather [hbm4b:s4+s19], $0x80, s3, s19, $0xb8;
	[tilespmem:$0x1E900] =	vst v63  }
0x23: {  	[bflag:$0x0] =	sbarrier.arrive $0xFFFF  }
0x24: {  	[tilespmem:s21], [sflag:$0x2] =	stream.linear.gather [hbm4b:s10+s3], $0x80, $0x38;
	[tilespmem:$0x1E900] =	vst v63  }
0x25: {  	_ = 	snop  }
0x26: {  	[tilespmem:s22], [sflag:$0x4] =	stream.indirect.gather [hbm4b:s4+s19], $0x80, s19, s19, $0xb8;
	[tilespmem:$0x1E900] =	vst v63  }
0x27: {  	_ =	swait.ge [sflag:s23], $0x4000  }
0x28: {  	[sflag:s23] =	ssyncset.done $0x0  }
0x29: {  	[sflag:s23] =	ssyncadd.s32 $0xFFFFC000  }
0x2a: {  	_ =	swait.ge [sflag:s24], $0x80  }
0x2b: {  	[sflag:s24] =	ssyncset.done $0x0  }
0x2c: {  	[sflag:s24] =	ssyncadd.s32 $0xFFFFFF80  }
0x2d: {  	[spmem:s2] =	stream.indirect.scatter.add.f32 [tilespmem:s20], [sflag:$0x5], $0x80, s18, s19, $0xb8;
	[tilespmem:$0x1E900] =	vst v63  }
0x2e: {  	_ =	swait.ge [sflag:s25], $0x4000  }
0x2f: {  	[sflag:s25] =	ssyncset.done $0x0  }
0x30: {  	[sflag:s25] =	ssyncadd.s32 $0xFFFFC000  }
0x31: {  	[tilespmem:s18], [sflag:$0x1] =	stream.linear.gather [hbm4b:s11+s3], $0x80, $0x38;
	[tilespmem:$0x1E900] =	vst v63  }
0x32: {  	s26 =	simm.s32 $0x100  }
0x33: {  	[tilespmem:s20], [sflag:$0x3] =	stream.indirect.gather [hbm4b:s4+s19], $0x80, s26, s19, $0xb8;
	[tilespmem:$0x1E900] =	vst v63  }
0x34: {  	_ =	swait.ge [sflag:s28], $0x4000  }
0x35: {  	[sflag:s28] =	ssyncset.done $0x0  }
0x36: {  	[sflag:s28] =	ssyncadd.s32 $0xFFFFC000  }
0x37: {  	_ =	swait.ge [sflag:s29], $0x80  }
0x38: {  	[sflag:s29] =	ssyncset.done $0x0  }
0x39: {  	[sflag:s29] =	ssyncadd.s32 $0xFFFFFF80  }
0x3a: {  	[spmem:s2] =	stream.indirect.scatter.add.f32 [tilespmem:s22], [sflag:$0x6], $0x80, s21, s19, $0xb8;
	[tilespmem:$0x1E900] =	vst v63  }
0x3b: {  	_ =	swait.ge [sflag:s30], $0x4000  }
0x3c: {  	[sflag:s30] =	ssyncset.done $0x0  }
0x3d: {  	s31 =	sadd.s32 $0x0, s13;
	[sflag:s30] =	ssyncadd.s32 $0xFFFFC000  }
0x3e: {  	[tilespmem:s21], [sflag:$0x2] =	stream.linear.gather [hbm4b:s31+s3], $0x80, $0x38;
	[tilespmem:$0x1E900] =	vst v63  }
0x3f: {  	s5 =	simm.s32 $0x180  }
0x40: {  	[tilespmem:s22], [sflag:$0x4] =	stream.indirect.gather [hbm4b:s4+s19], $0x80, s5, s19, $0xb8;
	[tilespmem:$0x1E900] =	vst v63  }
0x41: {  	_ =	swait.ge [sflag:s23], $0x4000  }
0x42: {  	[sflag:s23] =	ssyncset.done $0x0  }
0x43: {  	[sflag:s23] =	ssyncadd.s32 $0xFFFFC000  }
0x44: {  	_ =	swait.ge [sflag:s24], $0x80  }
0x45: {  	[sflag:s24] =	ssyncset.done $0x0  }
0x46: {  	[sflag:s24] =	ssyncadd.s32 $0xFFFFFF80  }
0x47: {  	[spmem:s2] =	stream.indirect.scatter.add.f32 [tilespmem:s20], [sflag:$0x5], $0x80, s18, s19, $0xb8;
	[tilespmem:$0x1E900] =	vst v63  }
0x48: {  	_ =	swait.ge [sflag:s25], $0x4000  }
0x49: {  	[sflag:s25] =	ssyncset.done $0x0  }
0x4a: {  	s26 =	sadd.s32 $0x0, s14;
	[sflag:s25] =	ssyncadd.s32 $0xFFFFC000  }
0x4b: {  	[tilespmem:s18], [sflag:$0x1] =	stream.linear.gather [hbm4b:s26+s3], $0x80, $0x38;
	[tilespmem:$0x1E900] =	vst v63  }
0x4c: {  	s31 =	simm.s32 $0x200  }
0x4d: {  	[tilespmem:s20], [sflag:$0x3] =	stream.indirect.gather [hbm4b:s4+s19], $0x80, s31, s19, $0xb8;
	[tilespmem:$0x1E900] =	vst v63  }
0x4e: {  	_ =	swait.ge [sflag:s28], $0x4000  }
0x4f: {  	[sflag:s28] =	ssyncset.done $0x0  }
0x50: {  	[sflag:s28] =	ssyncadd.s32 $0xFFFFC000  }
0x51: {  	_ =	swait.ge [sflag:s29], $0x80  }
0x52: {  	[sflag:s29] =	ssyncset.done $0x0  }
0x53: {  	s1 =	simm.s32 $0x20;
	s26 =	simm.s32 $0x280;
	[sflag:s29] =	ssyncadd.s32 $0xFFFFFF80  }
.LBB2_2:
0x54: {  	[spmem:s2] =	stream.indirect.scatter.add.f32 [tilespmem:s22], [sflag:$0x6], $0x80, s21, s19, $0xb8;
	[tilespmem:$0x1E900] =	vst v63  }
0x55: {  	s31 =	smov.u32 s1  }
0x56: {  	p0 =	sne.s32 s1, $0x4A0;
	s1 =	sadd.s32 $0x20, s1;
	_ =	swait.ge [sflag:s30], $0x4000  }
0x57: {  	[sflag:s30] =	ssyncset.done $0x0  }
0x58: {  	s5 =	sadd.s32 s31, s13;
	[sflag:s30] =	ssyncadd.s32 $0xFFFFC000  }
0x59: {  	[tilespmem:s21], [sflag:$0x2] =	stream.linear.gather [hbm4b:s5+s3], $0x80, $0x38;
	[tilespmem:$0x1E900] =	vst v63  }
0x5a: {  	_ = 	snop  }
0x5b: {  	[tilespmem:s22], [sflag:$0x4] =	stream.indirect.gather [hbm4b:s4+s19], $0x80, s26, s19, $0xb8;
	[tilespmem:$0x1E900] =	vst v63  }
0x5c: {  	_ =	swait.ge [sflag:s23], $0x4000  }
0x5d: {  	[sflag:s23] =	ssyncset.done $0x0  }
0x5e: {  	[sflag:s23] =	ssyncadd.s32 $0xFFFFC000  }
0x5f: {  	_ =	swait.ge [sflag:s24], $0x80  }
0x60: {  	[sflag:s24] =	ssyncset.done $0x0  }
0x61: {  	[sflag:s24] =	ssyncadd.s32 $0xFFFFFF80  }
0x62: {  	[spmem:s2] =	stream.indirect.scatter.add.f32 [tilespmem:s20], [sflag:$0x5], $0x80, s18, s19, $0xb8;
	[tilespmem:$0x1E900] =	vst v63  }
0x63: {  	_ =	swait.ge [sflag:s25], $0x4000  }
0x64: {  	[sflag:s25] =	ssyncset.done $0x0  }
0x65: {  	s5 =	sadd.s32 s31, s14;
	[sflag:s25] =	ssyncadd.s32 $0xFFFFC000  }
0x66: {  	[tilespmem:s18], [sflag:$0x1] =	stream.linear.gather [hbm4b:s5+s3], $0x80, $0x38;
	[tilespmem:$0x1E900] =	vst v63  }
0x67: {  	s5 =	sadd.s32 $0x80, s26  }
0x68: {  	[tilespmem:s20], [sflag:$0x3] =	stream.indirect.gather [hbm4b:s4+s19], $0x80, s5, s19, $0xb8;
	[tilespmem:$0x1E900] =	vst v63  }
0x69: {  	_ =	swait.ge [sflag:s28], $0x4000  }
.Ltmp0:
0x6a: {  	[sflag:s28] =	ssyncset.done $0x0;
	(pc) =	sbr.rel @p0 .LBB2_2-.Ltmp0, $4  }
0x6b: {  	[sflag:s28] =	ssyncadd.s32 $0xFFFFC000  }
0x6c: {  	_ =	swait.ge [sflag:s29], $0x80  }
0x6d: {  	[sflag:s29] =	ssyncset.done $0x0  }
0x6e: {  	s26 =	sadd.s32 $0x100, s26;
	[sflag:s29] =	ssyncadd.s32 $0xFFFFFF80  }
0x6f: {  	[spmem:s2] =	stream.indirect.scatter.add.f32 [tilespmem:s22], [sflag:$0x6], $0x80, s21, s19, $0xb8;
	[tilespmem:$0x1E900] =	vst v63  }
0x70: {  	_ =	swait.ge [sflag:s30], $0x4000  }
0x71: {  	[sflag:s30] =	ssyncset.done $0x0  }
0x72: {  	[sflag:s30] =	ssyncadd.s32 $0xFFFFC000  }
0x73: {  	[tilespmem:s21], [sflag:$0x2] =	stream.linear.gather [hbm4b:s12+s3], $0x80, $0x38;
	[tilespmem:$0x1E900] =	vst v63  }
0x74: {  	s1 =	simm.s32 $0x2780  }
0x75: {  	[tilespmem:s22], [sflag:$0x4] =	stream.indirect.gather [hbm4b:s4+s19], $0x80, s1, s19, $0xb8;
	[tilespmem:$0x1E900] =	vst v63  }
0x76: {  	_ =	swait.ge [sflag:s23], $0x4000  }
0x77: {  	[sflag:s23] =	ssyncset.done $0x0  }
0x78: {  	[sflag:s23] =	ssyncadd.s32 $0xFFFFC000  }
0x79: {  	_ =	swait.ge [sflag:s24], $0x80  }
0x7a: {  	[sflag:s24] =	ssyncset.done $0x0  }
0x7b: {  	[sflag:s24] =	ssyncadd.s32 $0xFFFFFF80  }
0x7c: {  	[spmem:s2] =	stream.indirect.scatter.add.f32 [tilespmem:s20], [sflag:$0x5], $0x80, s18, s19, $0xb8;
	[tilespmem:$0x1E900] =	vst v63  }
0x7d: {  	_ =	swait.ge [sflag:s28], $0x4000  }
0x7e: {  	[sflag:s28] =	ssyncset.done $0x0  }
0x7f: {  	[sflag:s28] =	ssyncadd.s32 $0xFFFFC000  }
0x80: {  	_ =	swait.ge [sflag:s29], $0x80  }
0x81: {  	[sflag:s29] =	ssyncset.done $0x0  }
0x82: {  	[sflag:s29] =	ssyncadd.s32 $0xFFFFFF80  }
0x83: {  	[spmem:s2] =	stream.indirect.scatter.add.f32 [tilespmem:s22], [sflag:$0x6], $0x80, s21, s19, $0xb8;
	[tilespmem:$0x1E900] =	vst v63  }
0x84: {  	_ =	swait.ge [sflag:s25], $0x4000  }
0x85: {  	[sflag:s25] =	ssyncset.done $0x0  }
0x86: {  	[sflag:s25] =	ssyncadd.s32 $0xFFFFC000  }
0x87: {  	_ =	swait.ge [sflag:s30], $0x4000  }
0x88: {  	s0 =	sadd.s32 $0x1, s0;
	[sflag:s30] =	ssyncset.done $0x0  }
0x89: {  	p0 =	sne.s32 s0, s9;
	[sflag:s30] =	ssyncadd.s32 $0xFFFFC000  }
.Ltmp1:
0x8a: {  	[bflag:$0x0] =	sbarrier.arrive $0xFFFF;
	(pc) =	sbr.rel @p0 .LBB2_1-.Ltmp1, $4  }
0x8b: {  	[hbm:s8], [sflag:s16] =	dma.local [spmem:s17], $0x2800  }
0x8c: {  	_ =	swait.ge [sflag:s15], $0x2800  }
0x8d: {  	[sflag:s15] =	ssyncset.done $0x0  }
0x8e: {  	[sflag:s15] =	ssyncadd.s32 $0xFFFFD800  }
0x8f: {  	_ =	sfence.sel $0x180000  }
0x90: {  	[bflag:$0x0] =	sbarrier.arrive $0xFFFF  }
0x91: {  	_ =	strace $0x9000004D  }
0x92: {  	s0 =	stileid.u32;
	[bflag:$0x2] =	sbarrier.arrive $0xFFFF  }
0x93: {  	p0 =	sne.s32 s0, $0x0;
	s0 =	rddreg [dreg:$0x3]  }
0x94: {  	s0 =	sadd.s32 @!p0 $0x100000, s0  }
0x95: {  	[sflag:s0] =	ssyncadd.tile.s32 @!p0 $0x1;
	_ =	shalt  }
.Lfunc_end2:
_tile_overlayer_lowered:
.L_overlay_start_2:
0x96: {  	(tag) =	ssettag $0x2  }
0x97: {  	s0 =	rddreg [dreg:$0x0];
	s2 =	stileid.u32  }
0x98: {  	s1 =	rddreg [dreg:$0x1];
	p0 =	sne.s32 s2, $0x0  }
0x99: {  	s3 =	rddreg [dreg:$0x2];
	[bflag:$0x3] =	sbarrier.arrive $0xFFFF;
	s2 =	simm.s32 @!p0 $0x1C07  }
0x9a: {  	[timem:s3], [sflag:s2] =	dma.local @!p0 [hbm:s0], s1  }
0x9b: {  	s0 =	simm.s32 @!p0 $0x7  }
0x9c: {  	_ =	swait.ge @!p0 [sflag:s0], s1  }
0x9d: {  	s1 =	ssub.s32 @!p0 $0x0, s1;
	[sflag:s0] =	ssyncset.done @!p0 $0x0  }
0x9e: {  	[sflag:s0] =	ssyncadd.s32 @!p0 s1  }
0x9f: {  	[bflag:$0x3] =	sbarrier.arrive $0xFFFF  }
0xa0: {  	_ =	shalt  }

// kernel: kernel.8.cloned.1.call-start
scs
__scs_entry_jumppad:
0x0: {  	(pc) =	sbr.rel $0x88, $3  }
0x1: {  	(tag) =	ssettag $0x0;
	lr =	simm.s32 $0x1  }
0x2: {  	[smem:$0x3F9B] =	sst lr;
	_ =	strace $0xD0000000  }
0x3: {  	_ = 	snop  }
0x4: {  	_ = 	snop  }
0x5: {  	_ = 	snop  }
0x6: {  	_ = 	snop  }
0x7: {  	_ = 	snop  }
__scs_overlays_trampoline_lowered:
0x8: {  	[smem:$0x3FAA] =	sst s0  }
0x9: {  	[smem:$0x3FAB] =	sst s1  }
0xa: {  	[smem:$0x3FAC] =	sst s2  }
0xb: {  	[smem:$0x3FAD] =	sst s3  }
0xc: {  	[smem:$0x3FAE] =	sst s4  }
0xd: {  	[smem:$0x3FAF] =	sst s5  }
0xe: {  	[smem:$0x3FB0] =	sst s6  }
0xf: {  	[smem:$0x3FB1] =	sst s7  }
0x10: {  	[smem:$0x3FB2] =	sst s8  }
0x11: {  	[smem:$0x3FB3] =	sst s9;
	s0 =	simm.s32 @!p0 $0x0  }
0x12: {  	s1 =	sld [smem:$0x3F99];
	s0 =	simm.s32 @p0 $0x1  }
0x13: {  	[smem:$0x3FB4] =	sst s0;
	s0 =	simm.s32 @!p1 $0x0  }
0x14: {  	s2 =	sld [smem:$0x3F98];
	s0 =	simm.s32 @p1 $0x1  }
0x15: {  	[smem:$0x3FB5] =	sst s0;
	s0 =	simm.s32 @!p2 $0x0  }
0x16: {  	s3 =	sld [smem:$0x3FDB];
	s0 =	simm.s32 @p2 $0x1  }
0x17: {  	s4 =	simm.s32 $0x1BF5;
	[smem:$0x3FB7] =	sst s0  }
0x18: {  	s0 =	sld [smem:$0x3F9A];
	_ =	swait.ge [sflag:s4], $0x0  }
0x19: {  	s7 =	sld [smem:$0x3F9B]  }
0x1a: {  	s8 =	sadd.s32 $0xFFFFE003, lr  }
0x1b: {  	s9 =	sadd.s32 $0xFFFFFEF7, lr;
	s5 =	simm.s32 $0xFFFFFFFF;
	p2 =	slt.u32 s8, $0xFFFFF086  }
0x1c: {  	p1 =	slt.u32 s9, $0xF7A;
	s5 =	simm.s32 @!p2 $0x0  }
0x1d: {  	s5 =	simm.s32 @p1 $0x1;
	p0 =	seq.s32 s7, s2  }
0x1e: {  	s7 =	smul.u32 @!p0 $0xF7A, s2;
	p2 =	seq.s32 @!p0 s5, $0x0  }
0x1f: {  	s9 =	smul.u32 $0xF7A, s1;
	s8 =	simm.s32 @!p0 $0x1BF5;
	p2 =	por !p2, p0  }
0x20: {  	[sflag:s8] =	ssyncset.s32 @!p0 $0xFFFFF086;
	s6 =	sadd.s32 @!p0 s3, s7;
	s7 =	simm.s32 @!p0 $0x108  }
0x21: {  	s3 =	sadd.s32 s3, s9;
	s6 =	sadd.s32 @!p0 $0x88, s6;
	s7 =	simm.s32 @p2 $0x1082  }
0x22: {  	[simem:s7], [sflag:s8] =	dma.local @!p0 [hbm:s6], $0xF7A  }
0x23: {  	s9 =	sor.u32 $0xD0000000, s2;
	s6 =	simm.s32 $0x108;
	_ =	swait.ge @!p0 [sflag:s8], $0x0  }
0x24: {  	s3 =	sadd.s32 $0x88, s3;
	s6 =	simm.s32 @!p1 $0x1082;
	[sflag:s4] =	ssyncset.s32 $0xFFFFF086  }
0x25: {  	[simem:s6], [sflag:s4] =	dma.local [hbm:s3], $0xF7A  }
0x26: {  	[smem:$0x3F9B] =	sst s1;
	(tag) =	ssettag s2;
	_ =	strace s9  }
0x27: {  	s1 =	sld [smem:$0x3FAB]  }
0x28: {  	s2 =	sld [smem:$0x3FAC]  }
0x29: {  	s4 =	sld [smem:$0x3FAE]  }
0x2a: {  	p0 =	seq.s32 s5, $0x0;
	s5 =	sld [smem:$0x3FAF]  }
0x2b: {  	s6 =	sld [smem:$0x3FB0]  }
0x2c: {  	s7 =	sld [smem:$0x3FB1]  }
0x2d: {  	s3 =	simm.s32 $0x108;
	s8 =	sld [smem:$0x3FB2]  }
0x2e: {  	s3 =	simm.s32 @!p0 $0x1082;
	s9 =	sld [smem:$0x3FB3]  }
0x2f: {  	lr =	sadd.s32 s0, s3;
	s0 =	sld [smem:$0x3FAA]  }
0x30: {  	s3 =	sld [smem:$0x3FAD]  }
0x31: {  	[smem:$0x3FB6] =	sst s10  }
0x32: {  	s10 =	sld [smem:$0x3FB4];
	_ =	sdelay $0x3  }
0x33: {  	p0 =	seq.s32 s10, $0x1;
	s10 =	sld [smem:$0x3FB6];
	_ =	sdelay $0x3  }
0x34: {  	[smem:$0x3FB6] =	sst s10  }
0x35: {  	s10 =	sld [smem:$0x3FB5];
	_ =	sdelay $0x3  }
0x36: {  	p1 =	seq.s32 s10, $0x1;
	s10 =	sld [smem:$0x3FB6];
	_ =	sdelay $0x3  }
0x37: {  	[smem:$0x3FB6] =	sst s10  }
0x38: {  	s10 =	sld [smem:$0x3FB7]  }
0x39: {  	_ = 	snop;
	(pc) =	sbr.ind lr, $3  }
0x3a: {  	_ = 	snop  }
0x3b: {  	_ = 	snop  }
0x3c: {  	p2 =	seq.s32 s10, $0x1;
	s10 =	sld [smem:$0x3FB6]  }
0x3d: {  	_ =	shalt  }
0x3e: {  	_ =	shalt  }
0x3f: {  	_ =	shalt  }
0x40: {  	_ =	shalt  }
0x41: {  	_ =	shalt  }
0x42: {  	_ =	shalt  }
0x43: {  	_ =	shalt  }
0x44: {  	_ =	shalt  }
0x45: {  	_ =	shalt  }
0x46: {  	_ =	shalt  }
0x47: {  	_ =	shalt  }
0x48: {  	_ =	shalt  }
0x49: {  	_ =	shalt  }
0x4a: {  	_ =	shalt  }
0x4b: {  	_ =	shalt  }
0x4c: {  	_ =	shalt  }
0x4d: {  	_ =	shalt  }
0x4e: {  	_ =	shalt  }
0x4f: {  	_ =	shalt  }
0x50: {  	_ =	shalt  }
0x51: {  	_ =	shalt  }
0x52: {  	_ =	shalt  }
0x53: {  	_ =	shalt  }
0x54: {  	_ =	shalt  }
0x55: {  	_ =	shalt  }
0x56: {  	_ =	shalt  }
0x57: {  	_ =	shalt  }
0x58: {  	_ =	shalt  }
0x59: {  	_ =	shalt  }
0x5a: {  	_ =	shalt  }
0x5b: {  	_ =	shalt  }
0x5c: {  	_ =	shalt  }
0x5d: {  	_ =	shalt  }
0x5e: {  	_ =	shalt  }
0x5f: {  	_ =	shalt  }
0x60: {  	_ =	shalt  }
0x61: {  	_ =	shalt  }
0x62: {  	_ =	shalt  }
0x63: {  	_ =	shalt  }
0x64: {  	_ =	shalt  }
0x65: {  	_ =	shalt  }
0x66: {  	_ =	shalt  }
0x67: {  	_ =	shalt  }
0x68: {  	_ =	shalt  }
0x69: {  	_ =	shalt  }
0x6a: {  	_ =	shalt  }
0x6b: {  	_ =	shalt  }
0x6c: {  	_ =	shalt  }
0x6d: {  	_ =	shalt  }
0x6e: {  	_ =	shalt  }
0x6f: {  	_ =	shalt  }
0x70: {  	_ =	shalt  }
0x71: {  	_ =	shalt  }
0x72: {  	_ =	shalt  }
0x73: {  	_ =	shalt  }
0x74: {  	_ =	shalt  }
0x75: {  	_ =	shalt  }
0x76: {  	_ =	shalt  }
0x77: {  	_ =	shalt  }
0x78: {  	_ =	shalt  }
0x79: {  	_ =	shalt  }
0x7a: {  	_ =	shalt  }
0x7b: {  	_ =	shalt  }
0x7c: {  	_ =	shalt  }
0x7d: {  	_ =	shalt  }
0x7e: {  	_ =	shalt  }
0x7f: {  	_ =	shalt  }
0x80: {  	_ =	shalt  }
0x81: {  	_ =	shalt  }
0x82: {  	_ =	shalt  }
0x83: {  	_ =	shalt  }
0x84: {  	_ =	shalt  }
0x85: {  	_ =	shalt  }
0x86: {  	_ =	shalt  }
0x87: {  	_ =	shalt  }
.Lfunc_end0:
.L_simem_size_0:
called_computation_lowered:
.L_overlay_start_0:
0x88: {  	s2 =	sld [smem:$0x3FD9]  }
0x89: {  	s3 =	sld [smem:$0x3FFE];
	_ =	sdelay $0x1  }
0x8a: {  	s1 =	srdreg.scid  }
0x8b: {  	s0 =	sand.u32 $0x1, s1  }
0x8c: {  	s16 =	sshll.u32 s0, $0xA;
	s2 =	sadd.s32 s3, s2  }
0x8d: {  	s2 =	sadd.s32 s2, s16  }
0x8e: {  	[smem:$0x3FC2] =	sst s2  }
0x8f: {  	_ = 	snop  }
0x90: {  	(tm) =	ssettm $0x1  }
0x91: {  	s17 =	sld [smem:$0x3FFB];
	_ =	sdelay $0x3  }
0x92: {  	_ =	strace s17  }
0x93: {  	s2 =	sld [smem:$0x3FFC];
	_ =	sdelay $0x3  }
0x94: {  	_ =	strace s2  }
0x95: {  	s2 =	sld [smem:$0x3FFD];
	_ =	sdelay $0x3  }
0x96: {  	_ =	strace s2  }
0x97: {  	_ =	strace $0x8FFFFFFF  }
0x98: {  	s18 =	sld [smem:$0x3FDB];
	_ =	sdelay $0x1  }
0x99: {  	s19 =	simm.s32 $_scs_section_size  }
0x9a: {  	s4 =	simm.s32 $_size__tile_overlayer_lowered;
	s5 =	simm.s32 $_tile_overlayer_lowered  }
0x9b: {  	s22 =	simm.s32 $0x1BFF;
	s21 =	sshll.u32 s5, $0x1;
	s2 =	sadd.s32 s19, s18  }
0x9c: {  	s6 =	simm.s32 $0x0;
	s20 =	sshll.u32 s4, $0x1;
	s4 =	sadd.s32 s21, s2  }
0x9d: {  	[timem:s6], [sflag:s22] =	dma.local [hbm:s4], s20  }
0x9e: {  	_ =	swait.ge [sflag:s22], s20  }
0x9f: {  	s3 =	ssub.s32 $0x0, s20;
	[sflag:s22] =	ssyncset.done $0x0  }
0xa0: {  	[sflag:s22] =	ssyncadd.s32 s3;
	_ =	sdelay $0x1  }
0xa1: {  	s23 =	simm.s32 $0x1B8B  }
0xa2: {  	_ =	swait.ge [sflag:s23], $0x1  }
0xa3: {  	[sflag:s23] =	ssyncset.done $0x0  }
0xa4: {  	s25 =	simm.s32 $0x1B8E;
	s24 =	sld [smem:$0x3FFE];
	[sflag:s23] =	ssyncadd.s32 $0xFFFFFFFF  }
0xa5: {  	s26 =	simm.s32 $execute0_lowered;
	[smem:$0x3FD2] =	sst s25  }
0xa6: {  	s4 =	sshll.u32 s26, $0x1;
	_ =	strace $0x80000046;
	[dreg:$0x1] =	wrdreg $0xFFFFFFFF  }
0xa7: {  	s28 =	simm.s32 $_size_execute0_lowered;
	s2 =	sadd.s32 s2, s4;
	[dreg:$0x0] =	wrdreg $0x0  }
0xa8: {  	s4 =	sshll.u32 s28, $0x1;
	[dreg:$0x2] =	wrdreg s2  }
0xa9: {  	[dreg:$0x3] =	wrdreg s4  }
0xaa: {  	[dreg:$0x4] =	wrdreg $0xC0  }
0xab: {  	_ =	task [dreg:s6], $0x5FFFF  }
0xac: {  	[dreg:$0x1] =	wrdreg $0xFFFFFFFF  }
0xad: {  	[dreg:$0x0] =	wrdreg $0x60  }
0xae: {  	[dreg:$0x2] =	wrdreg s24  }
0xaf: {  	[dreg:$0x3] =	wrdreg $0x41000  }
0xb0: {  	[dreg:$0x4] =	wrdreg $0x9  }
0xb1: {  	_ =	task.clear_ibuf [dreg:s6], $0x5FFFF;
	_ =	strace $0x90000046  }
0xb2: {  	s29 =	simm.s32 $0x9;
	_ =	strace $0x80000048  }
0xb3: {  	_ =	swait.ge [sflag:s29], $0x1  }
0xb4: {  	[sflag:s29] =	ssyncadd.s32 $0xFFFFFFFF  }
0xb5: {  	_ =	strace $0x90000048  }
0xb6: {  	_ =	sfence  }
0xb7: {  	s30 =	sld [smem:$0x0];
	_ =	sdelay $0x2  }
0xb8: {  	s31 =	sshll.u32 s1, $0xD;
	s1 =	sshrl.u32 s1, $0x2  }
0xb9: {  	s3 =	sand.u32 $0x4000, s31;
	s1 =	sadd.s32 s1, s30  }
0xba: {  	s0 =	sor.u32 s3, s0;
	s1 =	sshll.u32 s1, $0x11  }
0xbb: {  	s0 =	sor.u32 s1, s0  }
0xbc: {  	s0 =	sadd.s32 $0x8F2B, s0  }
0xbd: {  	[sflag:s0] =	ssyncadd.remote.s32 $0x1  }
0xbe: {  	_ =	sfence.sel $0xFFFF  }
0xbf: {  	[dreg:$0x0] =	wrdreg $0xFFFFFFFF;
	(pc) =	sbr.abs _section_cstart, $3  }
0xc0: {  	[dreg:$0x1] =	wrdreg $0xFFFFFFFF  }
0xc1: {  	_ =	task.clear_ibuf [dreg:s6], $0x2FFFF;
	_ =	strace $0x9FFFFFFF  }
0xc2: {  	(tm) =	ssettm $0x7FFFFFFF  }
0xc3: {  	_ =	shalt  }
tec
execute0_lowered:
.L_overlay_start_1:
0x0: {  	(tag) =	ssettag $0x1  }
0x1: {  	s5 =	rddreg [dreg:$0x0]  }
0x2: {  	s2 =	rddreg [dreg:$0x1]  }
0x3: {  	s0 =	rddreg [dreg:$0x2];
	s3 =	simm.s32 $0x0;
	s1 =	stileid.u32  }
0x4: {  	s4 =	srdreg.scid;
	s18 =	simm.s32 $0x80;
	s19 =	simm.s32 $0x1  }
0x5: {  	s20 =	simm.s32 $0x3;
	[smem:$0x7FF] =	sst s3;
	s6 =	smul.u32 $0x14000, s1  }
0x6: {  	s7 =	sand.u32 $0x1, s4;
	s13 =	sadd.s32 $0x2000, s5;
	s11 =	smul.u32 $0x50000, s1  }
0x7: {  	s4 =	sadd.s32 $0x34000, s5;
	s25 =	smul.u32 $0x2800, s1;
	s16 =	sshll.u32 s1, $0x6  }
0x8: {  	_ =	strace $0x80000047;
	s8 =	smul.u32 $0x140000, s7;
	s21 =	sshll.u32 s7, $0x4  }
0x9: {  	s10 =	ssub.s32 $0x2, s7;
	s24 =	smul.u32 $0x28000, s7;
	s16 =	sor.u32 $0x1C05, s16  }
0xa: {  	s9 =	sshrl.u32 s6, $0x3;
	s12 =	sshrl.u32 s10, $0x1;
	s22 =	sshrl.u32 s11, $0x2  }
0xb: {  	s9 =	sadd.s32 s9, s5;
	s6 =	sadd.s32 s6, s8;
	s8 =	sor.u32 s1, s21  }
0xc: {  	s10 =	ssub.s32 s10, s12;
	s17 =	sadd.s32 s22, s2;
	s11 =	sadd.s32 s25, s24  }
0xd: {  	s21 =	simm.s32 $0x2;
	s22 =	simm.s32 $0x4;
	s6 =	sshrl.u32 s6, $0x3  }
0xe: {  	s8 =	smul.u32 $0x2800, s8;
	s30 =	sor.u32 $0x200, s11;
	s31 =	sor.u32 $0x180, s11  }
0xf: {  	s17 =	sshrl.u32 s17, $0x3;
	s14 =	sadd.s32 s6, s5;
	s5 =	sadd.s32 $0xC000, s9  }
0x10: {  	s12 =	sshrl.u32 s30, $0x3;
	s23 =	sshrl.u32 s8, $0x3;
	s26 =	sor.u32 $0x80, s8  }
0x11: {  	s15 =	sor.u32 $0x100, s8;
	s7 =	sadd.s32 $0x34800, s14;
	s8 =	smax.u32 s10, $0x1  }
0x12: {  	s12 =	sadd.s32 s12, s13;
	s14 =	sshrl.u32 s31, $0x3;
	s6 =	sadd.s32 s13, s23  }
0x13: {  	s28 =	sshrl.u32 s26, $0x3;
	s29 =	sshrl.u32 s15, $0x3;
	s15 =	simm.s32 $0x5  }
0x14: {  	s23 =	simm.s32 $0x0;
	s9 =	sadd.s32 s13, s28;
	s10 =	sadd.s32 s13, s29  }
0x15: {  	s11 =	sadd.s32 $0x4F0, s6;
	s13 =	sadd.s32 s14, s13;
	s14 =	simm.s32 $0x100  }
.LBB2_1:
0x16: {  	[tilespmem:s14], [sflag:$0x5] =	stream.linear.gather [hbm4b:s4+s3], $0x4000, $0x38;
	[tilespmem:$0x18100] =	vst v63  }
0x17: {  	_ =	swait.ge [sflag:s15], $0x4000  }
0x18: {  	[sflag:s15] =	ssyncset.done $0x0  }
0x19: {  	[sflag:s15] =	ssyncadd.s32 $0xFFFFC000  }
0x1a: {  	[spmem:s17], [sflag:s16] =	dma.local [hbm:s5], $0x2800  }
0x1b: {  	_ =	swait.ge [sflag:s15], $0x2800  }
0x1c: {  	[sflag:s15] =	ssyncset.done $0x0  }
0x1d: {  	[sflag:s15] =	ssyncadd.s32 $0xFFFFD800  }
0x1e: {  	[tilespmem:s3], [sflag:$0x1] =	stream.linear.gather [hbm4b:s6+s3], $0x80, $0x38;
	[tilespmem:$0x18100] =	vst v63  }
0x1f: {  	[bflag:$0x0] =	sbarrier.arrive $0xFFFF  }
0x20: {  	[tilespmem:s18], [sflag:$0x2] =	stream.linear.gather [hbm4b:s9+s3], $0x80, $0x38;
	[tilespmem:$0x18100] =	vst v63  }
0x21: {  	_ =	swait.ge [sflag:s19], $0x80  }
0x22: {  	[sflag:s19] =	ssyncset.done $0x0  }
0x23: {  	[sflag:s19] =	ssyncadd.s32 $0xFFFFFF80  }
0x24: {  	[spmem:s2] =	stream.indirect.scatter.add.f32 [tilespmem:s14], [sflag:$0x3], $0x80, s3, s18, $0xb8;
	[tilespmem:$0x18100] =	vst v63  }
0x25: {  	_ =	swait.ge [sflag:s20], $0x4000  }
0x26: {  	[sflag:s20] =	ssyncset.done $0x0  }
0x27: {  	[sflag:s20] =	ssyncadd.s32 $0xFFFFC000  }
0x28: {  	[tilespmem:s3], [sflag:$0x1] =	stream.linear.gather [hbm4b:s10+s3], $0x80, $0x38;
	[tilespmem:$0x18100] =	vst v63  }
0x29: {  	_ =	swait.ge [sflag:s21], $0x80  }
0x2a: {  	[sflag:s21] =	ssyncset.done $0x0  }
0x2b: {  	[sflag:s21] =	ssyncadd.s32 $0xFFFFFF80  }
0x2c: {  	[spmem:s2] =	stream.indirect.scatter.add.f32 [tilespmem:s14], [sflag:$0x4], $0x80, s18, s18, $0xb8;
	[tilespmem:$0x18100] =	vst v63  }
0x2d: {  	_ =	swait.ge [sflag:s22], $0x4000  }
0x2e: {  	[sflag:s22] =	ssyncset.done $0x0  }
0x2f: {  	s24 =	sadd.s32 $0x0, s13;
	[sflag:s22] =	ssyncadd.s32 $0xFFFFC000  }
0x30: {  	[tilespmem:s18], [sflag:$0x2] =	stream.linear.gather [hbm4b:s24+s3], $0x80, $0x38;
	[tilespmem:$0x18100] =	vst v63  }
0x31: {  	_ =	swait.ge [sflag:s19], $0x80  }
0x32: {  	[sflag:s19] =	ssyncset.done $0x0  }
0x33: {  	[sflag:s19] =	ssyncadd.s32 $0xFFFFFF80  }
0x34: {  	[spmem:s2] =	stream.indirect.scatter.add.f32 [tilespmem:s14], [sflag:$0x3], $0x80, s3, s18, $0xb8;
	[tilespmem:$0x18100] =	vst v63  }
0x35: {  	_ =	swait.ge [sflag:s20], $0x4000  }
0x36: {  	[sflag:s20] =	ssyncset.done $0x0  }
0x37: {  	s31 =	sadd.s32 $0x0, s12;
	[sflag:s20] =	ssyncadd.s32 $0xFFFFC000  }
0x38: {  	[tilespmem:s3], [sflag:$0x1] =	stream.linear.gather [hbm4b:s31+s3], $0x80, $0x38;
	[tilespmem:$0x18100] =	vst v63  }
0x39: {  	_ =	swait.ge [sflag:s21], $0x80  }
0x3a: {  	[sflag:s21] =	ssyncset.done $0x0  }
0x3b: {  	s24 =	simm.s32 $0x20;
	[sflag:s21] =	ssyncadd.s32 $0xFFFFFF80  }
.LBB2_2:
0x3c: {  	[spmem:s2] =	stream.indirect.scatter.add.f32 [tilespmem:s14], [sflag:$0x4], $0x80, s18, s18, $0xb8;
	[tilespmem:$0x18100] =	vst v63  }
0x3d: {  	s25 =	smov.u32 s24  }
0x3e: {  	p0 =	sne.s32 s24, $0x4A0;
	s24 =	sadd.s32 $0x20, s24;
	_ =	swait.ge [sflag:s22], $0x4000  }
0x3f: {  	[sflag:s22] =	ssyncset.done $0x0  }
0x40: {  	s26 =	sadd.s32 s25, s13;
	[sflag:s22] =	ssyncadd.s32 $0xFFFFC000  }
0x41: {  	[tilespmem:s18], [sflag:$0x2] =	stream.linear.gather [hbm4b:s26+s3], $0x80, $0x38;
	[tilespmem:$0x18100] =	vst v63  }
0x42: {  	_ =	swait.ge [sflag:s19], $0x80  }
0x43: {  	[sflag:s19] =	ssyncset.done $0x0  }
0x44: {  	[sflag:s19] =	ssyncadd.s32 $0xFFFFFF80  }
0x45: {  	[spmem:s2] =	stream.indirect.scatter.add.f32 [tilespmem:s14], [sflag:$0x3], $0x80, s3, s18, $0xb8;
	[tilespmem:$0x18100] =	vst v63  }
0x46: {  	_ =	swait.ge [sflag:s20], $0x4000  }
0x47: {  	[sflag:s20] =	ssyncset.done $0x0  }
.Ltmp0:
0x48: {  	s25 =	sadd.s32 s25, s12;
	[sflag:s20] =	ssyncadd.s32 $0xFFFFC000;
	(pc) =	sbr.rel @p0 .LBB2_2-.Ltmp0, $4  }
0x49: {  	[tilespmem:s3], [sflag:$0x1] =	stream.linear.gather [hbm4b:s25+s3], $0x80, $0x38;
	[tilespmem:$0x18100] =	vst v63  }
0x4a: {  	_ =	swait.ge [sflag:s21], $0x80  }
0x4b: {  	[sflag:s21] =	ssyncset.done $0x0  }
0x4c: {  	[sflag:s21] =	ssyncadd.s32 $0xFFFFFF80  }
0x4d: {  	[spmem:s2] =	stream.indirect.scatter.add.f32 [tilespmem:s14], [sflag:$0x4], $0x80, s18, s18, $0xb8;
	[tilespmem:$0x18100] =	vst v63  }
0x4e: {  	_ =	swait.ge [sflag:s22], $0x4000  }
0x4f: {  	[sflag:s22] =	ssyncset.done $0x0  }
0x50: {  	[sflag:s22] =	ssyncadd.s32 $0xFFFFC000  }
0x51: {  	[tilespmem:s18], [sflag:$0x2] =	stream.linear.gather [hbm4b:s11+s3], $0x80, $0x38;
	[tilespmem:$0x18100] =	vst v63  }
0x52: {  	_ =	swait.ge [sflag:s19], $0x80  }
0x53: {  	[sflag:s19] =	ssyncset.done $0x0  }
0x54: {  	[sflag:s19] =	ssyncadd.s32 $0xFFFFFF80  }
0x55: {  	[spmem:s2] =	stream.indirect.scatter.add.f32 [tilespmem:s14], [sflag:$0x3], $0x80, s3, s18, $0xb8;
	[tilespmem:$0x18100] =	vst v63  }
0x56: {  	_ =	swait.ge [sflag:s21], $0x80  }
0x57: {  	[sflag:s21] =	ssyncset.done $0x0  }
0x58: {  	[sflag:s21] =	ssyncadd.s32 $0xFFFFFF80  }
0x59: {  	[spmem:s2] =	stream.indirect.scatter.add.f32 [tilespmem:s14], [sflag:$0x4], $0x80, s18, s18, $0xb8;
	[tilespmem:$0x18100] =	vst v63  }
0x5a: {  	_ =	swait.ge [sflag:s20], $0x4000  }
0x5b: {  	[sflag:s20] =	ssyncset.done $0x0  }
0x5c: {  	[sflag:s20] =	ssyncadd.s32 $0xFFFFC000  }
0x5d: {  	_ =	swait.ge [sflag:s22], $0x4000  }
0x5e: {  	s23 =	sadd.s32 $0x1, s23;
	[sflag:s22] =	ssyncset.done $0x0  }
0x5f: {  	p0 =	sne.s32 s23, s8;
	[sflag:s22] =	ssyncadd.s32 $0xFFFFC000  }
.Ltmp1:
0x60: {  	[bflag:$0x0] =	sbarrier.arrive $0xFFFF;
	(pc) =	sbr.rel @p0 .LBB2_1-.Ltmp1, $4  }
0x61: {  	[hbm:s7], [sflag:s16] =	dma.local [spmem:s17], $0x2800  }
0x62: {  	_ =	swait.ge [sflag:s15], $0x2800  }
0x63: {  	[sflag:s15] =	ssyncset.done $0x0  }
0x64: {  	[sflag:s15] =	ssyncadd.s32 $0xFFFFD800  }
0x65: {  	_ =	sfence.sel $0x180000  }
0x66: {  	[bflag:$0x0] =	sbarrier.arrive $0xFFFF  }
0x67: {  	p0 =	sne.s32 s1, $0x0;
	_ =	strace $0x90000047  }
0x68: {  	s0 =	sadd.s32 @!p0 $0x100000, s0;
	[bflag:$0x2] =	sbarrier.arrive $0xFFFF  }
0x69: {  	[sflag:s0] =	ssyncadd.tile.s32 @!p0 $0x1;
	_ =	shalt  }
.Lfunc_end2:
_tile_overlayer_lowered:
.L_overlay_start_2:
0x6a: {  	(tag) =	ssettag $0x2  }
0x6b: {  	s0 =	rddreg [dreg:$0x0];
	s2 =	stileid.u32  }
0x6c: {  	s1 =	rddreg [dreg:$0x1];
	p0 =	sne.s32 s2, $0x0  }
0x6d: {  	s3 =	rddreg [dreg:$0x2];
	[bflag:$0x3] =	sbarrier.arrive $0xFFFF;
	s2 =	simm.s32 @!p0 $0x1C05  }
0x6e: {  	[timem:s3], [sflag:s2] =	dma.local @!p0 [hbm:s0], s1  }
0x6f: {  	s0 =	simm.s32 @!p0 $0x5  }
0x70: {  	_ =	swait.ge @!p0 [sflag:s0], s1  }
0x71: {  	s1 =	ssub.s32 @!p0 $0x0, s1;
	[sflag:s0] =	ssyncset.done @!p0 $0x0  }
0x72: {  	[sflag:s0] =	ssyncadd.s32 @!p0 s1  }
0x73: {  	[bflag:$0x3] =	sbarrier.arrive $0xFFFF  }
0x74: {  	_ =	shalt  }

</sc_bundles>
